<compile_context>
chip_gen: v7x
topology: tpu7x:2x2x1
jax: 0.10.2.dev20260603
libtpu: 0.0.44.dev20260713+nightly
codegen_flags: <defaults>
</compile_context>

<pallas_src>
import functools
import numpy as np
import jax
import jax.numpy as jnp
from jax import lax
from jax.experimental import pallas as pl
from jax.experimental.pallas import tpu as pltpu
from jax.experimental.pallas import tpu_sc as plsc

VOCAB = 100000
CUTS = (0, 2000, 10000, 50000, 100000)
CUT1, CUT2, CUT3 = 2000, 10000, 50000
H = 768
XW = H + 128
LPAD = 2048
TT = 256
NTT = LPAD // TT
VT = 1024
NVT = (VOCAB + VT - 1) // VT
NSTEPS = NVT * NTT
LOG2E = 1.4426950408889634
LN2 = 0.6931471805599453

_c_lo = np.array([int(np.searchsorted(CUTS, v * VT, 'right') - 1)
                  for v in range(NVT)], np.int32)
_c_hi = np.array([int(np.searchsorted(CUTS, min((v + 1) * VT, VOCAB) - 1,
                                      'right') - 1)
                  for v in range(NVT)], np.int32)
_pure = (_c_lo == _c_hi).astype(np.int32)
if VOCAB % VT != 0:
    _pure[-1] = 0
_straddle = tuple(int(t) for t in np.where(_pure == 0)[0])
_v_of_j = np.repeat(np.arange(NVT, dtype=np.int32), NTT)
_k_of_j = np.tile(np.arange(NTT, dtype=np.int32), NVT)

_SC_NW = 32
_BPW = LPAD // _SC_NW


def _cluster_of(v):
    one = jnp.int32(1)
    return ((v >= CUT1) * one + (v >= CUT2) * one + (v >= CUT3) * one)


_oh_lo = np.eye(5, dtype=np.float32)[_c_lo]
_oh_hi = np.eye(5, dtype=np.float32)[_c_hi + 1]


def _schedule(yf):
    n = yf.shape[0]
    cl = _cluster_of(yf)
    oh = (cl[:, None] == jnp.arange(4, dtype=jnp.int32)[None, :])
    ohi = oh.astype(jnp.int32)
    pref = jnp.cumsum(ohi, axis=0)
    counts = pref[-1]
    offs = jnp.concatenate([jnp.zeros((1,), jnp.int32),
                            jnp.cumsum(counts).astype(jnp.int32)])
    rank = jnp.sum(ohi * pref, axis=1) - 1
    base_t = jnp.sum(ohi * offs[:4][None, :], axis=1)
    pos = (base_t + rank).astype(jnp.int32)
    pos_pad = jnp.concatenate(
        [pos, jnp.full((LPAD - n,), LPAD - 1, jnp.int32)])

    offs_f = offs.astype(jnp.float32)
    start = jnp.matmul(_oh_lo, offs_f).astype(jnp.int32)
    end = jnp.matmul(_oh_hi, offs_f).astype(jnp.int32)
    tlo = start // TT
    cnt = jnp.where(end > start,
                    (end + TT - 1) // TT - start // TT, 0).astype(jnp.int32)
    return pos_pad, tlo.astype(jnp.int32), cnt


def _grouped_body(tlo_ref, cnt_ref, x_ref, w_ref, b_ref, cw_ref, cb_ref,
                  out_ref, s_acc, t_acc, cll, x_bf, w_bf):
    v = pl.program_id(0)

    @pl.when(v == 0)
    def _init():
        s_acc[:] = jnp.zeros_like(s_acc)
        t_acc[:] = jnp.zeros_like(t_acc)
        x_bf[:] = x_ref[:, :H].astype(jnp.bfloat16)
        clg = jnp.dot(x_ref[:, :H], cw_ref[:],
                      preferred_element_type=jnp.float32) * LN2 + cb_ref[:]
        m = jnp.max(clg, axis=1, keepdims=True)
        lse = m + jnp.log(jnp.sum(jnp.exp(clg - m), axis=1, keepdims=True))
        ccol = jax.lax.broadcasted_iota(jnp.int32, (1, clg.shape[1]), 1)
        tok_cl = _cluster_of(x_ref[:, H:H + 1])
        cll[:] = jnp.sum(jnp.where(ccol == tok_cl, clg - lse, 0.0),
                         axis=1, keepdims=True)

    col = v * VT + jax.lax.broadcasted_iota(jnp.int32, (1, VT), 1)
    is_pure = jnp.bool_(True)
    for _s in _straddle:
        is_pure = jnp.logical_and(is_pure, v != _s)
    cid = _cluster_of(v * VT)
    tl = tlo_ref[v]
    w_bf[:] = w_ref[:].astype(jnp.bfloat16)

    def _item(ki, carry):
        r0 = (tl + ki) * TT
        xt = x_bf[pl.ds(r0, TT), :]
        l = jnp.dot(xt, w_bf[:],
                    preferred_element_type=jnp.float32) + b_ref[:]
        ytf = x_ref[pl.ds(r0, TT), H:H + 1]
        tok_cl = _cluster_of(ytf)
        e = jnp.exp2(l)

        @pl.when(is_pure)
        def _fast():
            ssum = jnp.sum(e, axis=1, keepdims=True)
            s_acc[pl.ds(r0, TT), :] += jnp.where(tok_cl == cid, ssum, 0.0)

        @pl.when(jnp.logical_not(is_pure))
        def _slow():
            col_cl = jnp.where(col < VOCAB, _cluster_of(col), -1)
            s_acc[pl.ds(r0, TT), :] += jnp.sum(
                jnp.where(col_cl == tok_cl, e, 0.0),
                axis=1, keepdims=True)

        t_acc[pl.ds(r0, TT), :] += jnp.sum(
            jnp.where(col.astype(jnp.float32) == ytf, l, 0.0),
            axis=1, keepdims=True)
        return carry

    lax.fori_loop(0, cnt_ref[v], _item, 0)

    @pl.when(v == NVT - 1)
    def _finish():
        nll = -(cll[:] + LN2 * (t_acc[:] - jnp.log2(s_acc[:])))
        out_ref[:] = jnp.broadcast_to(nll, (LPAD, 128))


def _tc_grouped(x_s, W, b2, cW, cb, tlo, cnt):
    return pl.pallas_call(
        _grouped_body,
        grid=(NVT,),
        in_specs=[
            pl.BlockSpec(memory_space=pltpu.SMEM),
            pl.BlockSpec(memory_space=pltpu.SMEM),
            pl.BlockSpec((LPAD, XW), lambda v: (0, 0)),
            pl.BlockSpec((H, VT), lambda v: (0, v)),
            pl.BlockSpec((1, VT), lambda v: (0, v)),
            pl.BlockSpec(cW.shape, lambda v: (0, 0)),
            pl.BlockSpec(cb.shape, lambda v: (0, 0)),
        ],
        out_specs=pl.BlockSpec((LPAD, 128), lambda v: (0, 0)),
        scratch_shapes=[
            pltpu.VMEM((LPAD, 1), jnp.float32),
            pltpu.VMEM((LPAD, 1), jnp.float32),
            pltpu.VMEM((LPAD, 1), jnp.float32),
            pltpu.VMEM((LPAD, H), jnp.bfloat16),
            pltpu.VMEM((H, VT), jnp.bfloat16),
        ],
        out_shape=jax.ShapeDtypeStruct((LPAD, 128), jnp.float32),
        compiler_params=pltpu.CompilerParams(
            dimension_semantics=("arbitrary",)),
    )(tlo, cnt, x_s, W, b2, cW, cb)


def _sc_scatter_x(x_aug, pos_pad):
    mesh = plsc.VectorSubcoreMesh(core_axis_name="c", subcore_axis_name="s")

    @functools.partial(
        pl.kernel, mesh=mesh,
        out_type=jax.ShapeDtypeStruct((LPAD, XW), jnp.float32),
        scratch_types=[
            pltpu.VMEM((_BPW,), jnp.int32),
            pltpu.VMEM((_BPW, XW), jnp.float32),
            pltpu.SemaphoreType.DMA,
        ],
    )
    def k(x_hbm, idx_hbm, out_hbm, idx_v, rows_v, sem):
        wid = lax.axis_index("s") * 2 + lax.axis_index("c")
        b0 = wid * _BPW
        pltpu.sync_copy(idx_hbm.at[pl.ds(b0, _BPW)], idx_v)
        pltpu.sync_copy(x_hbm.at[pl.ds(b0, _BPW)], rows_v)
        pltpu.async_copy(rows_v, out_hbm.at[idx_v], sem).wait()

    return k(x_aug, pos_pad)


def _sc_gather_out(src, pos_pad):
    mesh = plsc.VectorSubcoreMesh(core_axis_name="c", subcore_axis_name="s")

    @functools.partial(
        pl.kernel, mesh=mesh,
        out_type=jax.ShapeDtypeStruct((LPAD, 128), jnp.float32),
        scratch_types=[
            pltpu.VMEM((_BPW,), jnp.int32),
            pltpu.VMEM((_BPW, 128), jnp.float32),
            pltpu.SemaphoreType.DMA,
        ],
    )
    def k(src_hbm, idx_hbm, out_hbm, idx_v, rows_v, sem):
        wid = lax.axis_index("s") * 2 + lax.axis_index("c")
        b0 = wid * _BPW
        pltpu.sync_copy(idx_hbm.at[pl.ds(b0, _BPW)], idx_v)
        pltpu.async_copy(src_hbm.at[idx_v], rows_v, sem).wait()
        pltpu.sync_copy(rows_v, out_hbm.at[pl.ds(b0, _BPW)])

    return k(src, pos_pad)


def kernel(x, y, cluster_W, cluster_b, W, b):
    x = x[:, :-1]
    bsz, l, h = x.shape
    xf = x.reshape(bsz * l, h)
    yf = y.reshape(-1)
    n = xf.shape[0]
    x_aug = jnp.concatenate(
        [jnp.pad(xf, ((0, LPAD - n), (0, 0))) * jnp.float32(LOG2E),
         jnp.pad(yf.astype(jnp.float32)[:, None],
                 ((0, LPAD - n), (0, 128 - 1)))], axis=1)
    b2 = b * jnp.float32(LOG2E)

    pos_pad, tlo, cnt = _schedule(yf)
    x_s = _sc_scatter_x(x_aug, pos_pad)
    nll_s = _tc_grouped(x_s, W, b2, cluster_W, cluster_b, tlo, cnt)
    nll = _sc_gather_out(nll_s, pos_pad)
    return nll[:n, 0]

# --- scband reference (transcript-rebuilt; emitter-appended) ---
"""Pipeline reference for scband-adaptive-softmax-87522843560701 (READ-ONLY COPY).

The authoritative reference and input builder live on the scoring server;
editing this copy changes nothing except your own understanding.
"""

import jax, jax.numpy as jnp
import numpy as np

VOCAB = 100000
HIDDEN = 768
CUTOFFS = [0, 2000, 10000, 50000, 100000]
N_CLUSTERS = 4


def setup_inputs(seed: int = 0) -> dict:
    key = jax.random.key(seed)
    k1, k2, k3, k4 = jax.random.split(key, 4)
    x = jax.random.normal(k1, (1, 2048, HIDDEN), dtype=jnp.float32)
    y = jax.random.randint(k2, (1, 2047), 0, VOCAB, dtype=jnp.int32)
    cluster_W = 0.02 * jax.random.normal(k3, (HIDDEN, N_CLUSTERS), dtype=jnp.float32)
    cluster_b = jnp.zeros((1, N_CLUSTERS), dtype=jnp.float32)
    W = 0.02 * jax.random.normal(k4, (HIDDEN, VOCAB), dtype=jnp.float32)
    b = jnp.zeros((1, VOCAB), dtype=jnp.float32)
    return {"x": x, "y": y, "cluster_W": cluster_W, "cluster_b": cluster_b, "W": W, "b": b}


def reference(x, y, cluster_W, cluster_b, W, b):
    # x: [B, L+1, H]; drop last position like original module
    x = x[:, :-1]
    bsz, l, h = x.shape
    x_flat = x.reshape(bsz * l, h)
    y_flat = y.reshape(-1)
    # cluster logits (TFConv1D: matmul + bias)
    cl = jnp.matmul(x_flat, cluster_W) + cluster_b
    cluster_ll = jax.nn.log_softmax(cl, axis=1)
    nll = jnp.zeros_like(y_flat, dtype=x.dtype)
    for i in range(N_CLUSTERS):
        lcut, rcut = CUTOFFS[i], CUTOFFS[i + 1]
        mask = (y_flat >= lcut) & (y_flat < rcut)
        # Equivalent to boolean_mask + matmul on selected rows: compute for all rows,
        # select via mask (masks are disjoint and cover [0, vocab)).
        tail_logit = jnp.matmul(x_flat, W[:, lcut:rcut]) + b[:, lcut:rcut]
        tail_lp = jax.nn.log_softmax(tail_logit, axis=1)
        tgt = jnp.clip(y_flat - lcut, 0, rcut - lcut - 1)
        gathered = jnp.take_along_axis(tail_lp, tgt[:, None], axis=1)[:, 0]
        cur_ll = cluster_ll[:, i] + gathered
        nll = jnp.where(mask, -cur_ll, nll)
    return nll

if __name__ == "__main__":
    import jax
    _d = setup_inputs()
    print(jax.jit(kernel)(*tuple(_d.values())))

</pallas_src>

<mosaic_0001>
#map = affine_map<(d0, d1) -> (0, 0)>
#map1 = affine_map<(d0, d1) -> (0)>
module attributes {stable_mosaic.version = 14 : i64} {
  func.func @k(%arg0: i32, %arg1: i32, %arg2: memref<2048x896xf32, #tpu.memory_space<hbm>>, %arg3: memref<2048xi32, #tpu.memory_space<hbm>>, %arg4: memref<2048x896xf32, #tpu.memory_space<hbm>>, %arg5: memref<64xi32, #tpu.memory_space<vmem>>, %arg6: memref<64x896xf32, #tpu.memory_space<vmem>>, %arg7: memref<!tpu.dma_semaphore, #tpu.memory_space<semaphore_mem>>) attributes {dimension_semantics = [#tpu.dimension_semantics<core_parallel>, #tpu.dimension_semantics<subcore_parallel>], iteration_bounds = array<i64: 2, 16>, scalar_prefetch = 0 : i64, scratch_operands = 3 : i64, tpu.core_type = #tpu.core_type<sc_vector_subcore>, window_params = [{transform_indices = #map}, {transform_indices = #map1}, {transform_indices = #map}]} {
    %mul3A = arith.constant 2 : i32
    %mul3A_0 = arith.muli %arg1, %mul3A : i32
    %add3A = arith.addi %mul3A_0, %arg0 : i32
    %mul3A_1 = arith.constant 64 : i32
    %mul3A_2 = arith.muli %add3A, %mul3A_1 : i32
    "tpu.region"() ({
      %run_scoped3A = tpu.sem_alloc : memref<!tpu.dma_semaphore, #tpu.memory_space<semaphore_mem>>
      %dma_start3A_7 = tpu.memref_slice %arg3[%mul3A_2] : memref<2048xi32, #tpu.memory_space<hbm>> -> memref<64xi32, #tpu.memory_space<hbm>>
      %dma_start3A_8 = tpu.memref_slice %arg3[%mul3A_2] : memref<2048xi32, #tpu.memory_space<hbm>> -> memref<64xi32, #tpu.memory_space<hbm>>
      tpu.enqueue_dma source(%dma_start3A_8 : memref<64xi32, #tpu.memory_space<hbm>>) target(%arg5 : memref<64xi32, #tpu.memory_space<vmem>>) target_semaphore(%run_scoped3A : memref<!tpu.dma_semaphore, #tpu.memory_space<semaphore_mem>>)
      %dma_wait3A_9 = tpu.memref_slice %arg3[%mul3A_2] : memref<2048xi32, #tpu.memory_space<hbm>> -> memref<64xi32, #tpu.memory_space<hbm>>
      %dma_wait3A_10 = tpu.memref_slice %arg3[%mul3A_2] : memref<2048xi32, #tpu.memory_space<hbm>> -> memref<64xi32, #tpu.memory_space<hbm>>
      tpu.wait_dma2 semaphore(%run_scoped3A : memref<!tpu.dma_semaphore, #tpu.memory_space<semaphore_mem>>) src(%dma_wait3A_10 : memref<64xi32, #tpu.memory_space<hbm>>) dst(%arg5 : memref<64xi32, #tpu.memory_space<vmem>>)
      tpu.yield
    }) : () -> ()
    "tpu.region"() ({
      %run_scoped3A = tpu.sem_alloc : memref<!tpu.dma_semaphore, #tpu.memory_space<semaphore_mem>>
      %dma_start3A_7 = arith.constant 0 : i32
      %dma_start3A_8 = tpu.memref_slice %arg2[%mul3A_2, %dma_start3A_7] : memref<2048x896xf32, #tpu.memory_space<hbm>> -> memref<64x896xf32, #tpu.memory_space<hbm>>
      %dma_start3A_9 = arith.constant 0 : i32
      %dma_start3A_10 = tpu.memref_slice %arg2[%mul3A_2, %dma_start3A_9] : memref<2048x896xf32, #tpu.memory_space<hbm>> -> memref<64x896xf32, #tpu.memory_space<hbm>>
      tpu.enqueue_dma source(%dma_start3A_10 : memref<64x896xf32, #tpu.memory_space<hbm>>) target(%arg6 : memref<64x896xf32, #tpu.memory_space<vmem>>) target_semaphore(%run_scoped3A : memref<!tpu.dma_semaphore, #tpu.memory_space<semaphore_mem>>)
      %dma_wait3A_11 = arith.constant 0 : i32
      %dma_wait3A_12 = tpu.memref_slice %arg2[%mul3A_2, %dma_wait3A_11] : memref<2048x896xf32, #tpu.memory_space<hbm>> -> memref<64x896xf32, #tpu.memory_space<hbm>>
      %dma_wait3A_13 = arith.constant 0 : i32
      %dma_wait3A_14 = tpu.memref_slice %arg2[%mul3A_2, %dma_wait3A_13] : memref<2048x896xf32, #tpu.memory_space<hbm>> -> memref<64x896xf32, #tpu.memory_space<hbm>>
      tpu.wait_dma2 semaphore(%run_scoped3A : memref<!tpu.dma_semaphore, #tpu.memory_space<semaphore_mem>>) src(%dma_wait3A_14 : memref<64x896xf32, #tpu.memory_space<hbm>>) dst(%arg6 : memref<64x896xf32, #tpu.memory_space<vmem>>)
      tpu.yield
    }) : () -> ()
    %dma_start3A = arith.constant 0 : i32
    %dma_start3A_3 = arith.constant 0 : i32
    %dma_start3A_4 = tpu.memref_slice %arg4[%dma_start3A, %dma_start3A_3] : memref<2048x896xf32, #tpu.memory_space<hbm>> -> memref<2048x896xf32, #tpu.memory_space<hbm>>
    tpu.enqueue_indirect_dma source(%arg6 : memref<64x896xf32, #tpu.memory_space<vmem>>) target(%dma_start3A_4 : memref<2048x896xf32, #tpu.memory_space<hbm>>) offsets(%arg5 : memref<64xi32, #tpu.memory_space<vmem>>) semaphore(%arg7 : memref<!tpu.dma_semaphore, #tpu.memory_space<semaphore_mem>>)
    %dma_wait3A = arith.constant 0 : i32
    %dma_wait3A_5 = arith.constant 0 : i32
    %dma_wait3A_6 = tpu.memref_slice %arg4[%dma_wait3A, %dma_wait3A_5] : memref<2048x896xf32, #tpu.memory_space<hbm>> -> memref<2048x896xf32, #tpu.memory_space<hbm>>
    tpu.wait_indirect_dma semaphore(%arg7 : memref<!tpu.dma_semaphore, #tpu.memory_space<semaphore_mem>>) src(%arg6 : memref<64x896xf32, #tpu.memory_space<vmem>>) dst(%dma_wait3A_6 : memref<2048x896xf32, #tpu.memory_space<hbm>>)
    return
  }
}

#map = affine_map<(d0, d1) -> (0, 0)>
#map1 = affine_map<(d0, d1) -> (0)>
module attributes {stable_mosaic.version = 14 : i64} {
  func.func @k(%arg0: i32, %arg1: i32, %arg2: memref<2048x128xf32, #tpu.memory_space<hbm>>, %arg3: memref<2048xi32, #tpu.memory_space<hbm>>, %arg4: memref<2048x128xf32, #tpu.memory_space<hbm>>, %arg5: memref<64xi32, #tpu.memory_space<vmem>>, %arg6: memref<64x128xf32, #tpu.memory_space<vmem>>, %arg7: memref<!tpu.dma_semaphore, #tpu.memory_space<semaphore_mem>>) attributes {dimension_semantics = [#tpu.dimension_semantics<core_parallel>, #tpu.dimension_semantics<subcore_parallel>], iteration_bounds = array<i64: 2, 16>, scalar_prefetch = 0 : i64, scratch_operands = 3 : i64, tpu.core_type = #tpu.core_type<sc_vector_subcore>, window_params = [{transform_indices = #map}, {transform_indices = #map1}, {transform_indices = #map}]} {
    %mul3A = arith.constant 2 : i32
    %mul3A_0 = arith.muli %arg1, %mul3A : i32
    %add3A = arith.addi %mul3A_0, %arg0 : i32
    %mul3A_1 = arith.constant 64 : i32
    %mul3A_2 = arith.muli %add3A, %mul3A_1 : i32
    "tpu.region"() ({
      %run_scoped3A = tpu.sem_alloc : memref<!tpu.dma_semaphore, #tpu.memory_space<semaphore_mem>>
      %dma_start3A_7 = tpu.memref_slice %arg3[%mul3A_2] : memref<2048xi32, #tpu.memory_space<hbm>> -> memref<64xi32, #tpu.memory_space<hbm>>
      %dma_start3A_8 = tpu.memref_slice %arg3[%mul3A_2] : memref<2048xi32, #tpu.memory_space<hbm>> -> memref<64xi32, #tpu.memory_space<hbm>>
      tpu.enqueue_dma source(%dma_start3A_8 : memref<64xi32, #tpu.memory_space<hbm>>) target(%arg5 : memref<64xi32, #tpu.memory_space<vmem>>) target_semaphore(%run_scoped3A : memref<!tpu.dma_semaphore, #tpu.memory_space<semaphore_mem>>)
      %dma_wait3A_9 = tpu.memref_slice %arg3[%mul3A_2] : memref<2048xi32, #tpu.memory_space<hbm>> -> memref<64xi32, #tpu.memory_space<hbm>>
      %dma_wait3A_10 = tpu.memref_slice %arg3[%mul3A_2] : memref<2048xi32, #tpu.memory_space<hbm>> -> memref<64xi32, #tpu.memory_space<hbm>>
      tpu.wait_dma2 semaphore(%run_scoped3A : memref<!tpu.dma_semaphore, #tpu.memory_space<semaphore_mem>>) src(%dma_wait3A_10 : memref<64xi32, #tpu.memory_space<hbm>>) dst(%arg5 : memref<64xi32, #tpu.memory_space<vmem>>)
      tpu.yield
    }) : () -> ()
    %dma_start3A = arith.constant 0 : i32
    %dma_start3A_3 = arith.constant 0 : i32
    %dma_start3A_4 = tpu.memref_slice %arg2[%dma_start3A, %dma_start3A_3] : memref<2048x128xf32, #tpu.memory_space<hbm>> -> memref<2048x128xf32, #tpu.memory_space<hbm>>
    tpu.enqueue_indirect_dma source(%dma_start3A_4 : memref<2048x128xf32, #tpu.memory_space<hbm>>) target(%arg6 : memref<64x128xf32, #tpu.memory_space<vmem>>) offsets(%arg5 : memref<64xi32, #tpu.memory_space<vmem>>) semaphore(%arg7 : memref<!tpu.dma_semaphore, #tpu.memory_space<semaphore_mem>>)
    %dma_wait3A = arith.constant 0 : i32
    %dma_wait3A_5 = arith.constant 0 : i32
    %dma_wait3A_6 = tpu.memref_slice %arg2[%dma_wait3A, %dma_wait3A_5] : memref<2048x128xf32, #tpu.memory_space<hbm>> -> memref<2048x128xf32, #tpu.memory_space<hbm>>
    tpu.wait_indirect_dma semaphore(%arg7 : memref<!tpu.dma_semaphore, #tpu.memory_space<semaphore_mem>>) src(%dma_wait3A_6 : memref<2048x128xf32, #tpu.memory_space<hbm>>) dst(%arg6 : memref<64x128xf32, #tpu.memory_space<vmem>>)
    "tpu.region"() ({
      %run_scoped3A = tpu.sem_alloc : memref<!tpu.dma_semaphore, #tpu.memory_space<semaphore_mem>>
      %dma_start3A_7 = arith.constant 0 : i32
      %dma_start3A_8 = tpu.memref_slice %arg4[%mul3A_2, %dma_start3A_7] : memref<2048x128xf32, #tpu.memory_space<hbm>> -> memref<64x128xf32, #tpu.memory_space<hbm>>
      %dma_start3A_9 = arith.constant 0 : i32
      %dma_start3A_10 = tpu.memref_slice %arg4[%mul3A_2, %dma_start3A_9] : memref<2048x128xf32, #tpu.memory_space<hbm>> -> memref<64x128xf32, #tpu.memory_space<hbm>>
      tpu.enqueue_dma source(%arg6 : memref<64x128xf32, #tpu.memory_space<vmem>>) target(%dma_start3A_10 : memref<64x128xf32, #tpu.memory_space<hbm>>) target_semaphore(%run_scoped3A : memref<!tpu.dma_semaphore, #tpu.memory_space<semaphore_mem>>)
      %dma_wait3A_11 = arith.constant 0 : i32
      %dma_wait3A_12 = tpu.memref_slice %arg4[%mul3A_2, %dma_wait3A_11] : memref<2048x128xf32, #tpu.memory_space<hbm>> -> memref<64x128xf32, #tpu.memory_space<hbm>>
      %dma_wait3A_13 = arith.constant 0 : i32
      %dma_wait3A_14 = tpu.memref_slice %arg4[%mul3A_2, %dma_wait3A_13] : memref<2048x128xf32, #tpu.memory_space<hbm>> -> memref<64x128xf32, #tpu.memory_space<hbm>>
      tpu.wait_dma2 semaphore(%run_scoped3A : memref<!tpu.dma_semaphore, #tpu.memory_space<semaphore_mem>>) src(%arg6 : memref<64x128xf32, #tpu.memory_space<vmem>>) dst(%dma_wait3A_14 : memref<64x128xf32, #tpu.memory_space<hbm>>)
      tpu.yield
    }) : () -> ()
    return
  }
}

module attributes {stable_mosaic.version = 14 : i64} {
  func.func @_grouped_body(%arg0: i32, %arg1: memref<98xi32, #tpu.memory_space<smem>>, %arg2: memref<98xi32, #tpu.memory_space<smem>>, %arg3: memref<2048x896xf32, #tpu.memory_space<vmem>>, %arg4: memref<768x1024xf32, #tpu.memory_space<vmem>>, %arg5: memref<1x1024xf32, #tpu.memory_space<vmem>>, %arg6: memref<768x4xf32, #tpu.memory_space<vmem>>, %arg7: memref<1x4xf32, #tpu.memory_space<vmem>>, %arg8: memref<2048x128xf32, #tpu.memory_space<vmem>>, %arg9: memref<2048x1xf32, #tpu.memory_space<vmem>>, %arg10: memref<2048x1xf32, #tpu.memory_space<vmem>>, %arg11: memref<2048x1xf32, #tpu.memory_space<vmem>>, %arg12: memref<2048x768xbf16, #tpu.memory_space<vmem>>, %arg13: memref<768x1024xbf16, #tpu.memory_space<vmem>>) attributes {dimension_semantics = [#tpu.dimension_semantics<arbitrary>], iteration_bounds = array<i64: 98>, scalar_prefetch = 0 : i64, scratch_operands = 5 : i64, tpu.core_type = #tpu.core_type<tc>, window_params = [{transform_indices = @transform_0, window_bounds = array<i64: 98>}, {transform_indices = @transform_1, window_bounds = array<i64: 98>}, {pipeline_mode = #tpu.pipeline_mode<synchronous>, transform_indices = @transform_2, window_bounds = array<i64: 2048, 896>}, {transform_indices = @transform_3, window_bounds = array<i64: 768, 1024>}, {transform_indices = @transform_4, window_bounds = array<i64: 1, 1024>}, {pipeline_mode = #tpu.pipeline_mode<synchronous>, transform_indices = @transform_5, window_bounds = array<i64: 768, 4>}, {pipeline_mode = #tpu.pipeline_mode<synchronous>, transform_indices = @transform_6, window_bounds = array<i64: 1, 4>}, {pipeline_mode = #tpu.pipeline_mode<synchronous>, transform_indices = @transform_7, window_bounds = array<i64: 2048, 128>}]} {
    %eq3A = arith.constant 0 : i32
    %eq3A_0 = arith.cmpi eq, %arg0, %eq3A : i32
    %convert_element_type3A = arith.extui %eq3A_0 : i1 to i32
    %cond3A = arith.constant 0 : i32
    %cond3A_1 = arith.cmpi ne, %convert_element_type3A, %cond3A : i32
    scf.if %cond3A_1 {
      %broadcast_in_dim3A = arith.constant 0.000000e+00 : f32
      %broadcast_in_dim3A_56 = vector.broadcast %broadcast_in_dim3A : f32 to vector<2048x1xf32>
      %swap3A_57 = arith.constant 0 : index
      %swap3A_58 = arith.constant 0 : index
      %swap3A_59 = vector.load %arg9[%swap3A_57, %swap3A_58] : memref<2048x1xf32, #tpu.memory_space<vmem>>, vector<2048x1xf32>
      tpu.vector_store %arg9[%swap3A_57, %swap3A_58], %broadcast_in_dim3A_56 {strides = array<i32>} : memref<2048x1xf32, #tpu.memory_space<vmem>>, vector<2048x1xf32>,
      %broadcast_in_dim3A_60 = arith.constant 0.000000e+00 : f32
      %broadcast_in_dim3A_61 = vector.broadcast %broadcast_in_dim3A_60 : f32 to vector<2048x1xf32>
      %swap3A_62 = arith.constant 0 : index
      %swap3A_63 = arith.constant 0 : index
      %swap3A_64 = vector.load %arg10[%swap3A_62, %swap3A_63] : memref<2048x1xf32, #tpu.memory_space<vmem>>, vector<2048x1xf32>
      tpu.vector_store %arg10[%swap3A_62, %swap3A_63], %broadcast_in_dim3A_61 {strides = array<i32>} : memref<2048x1xf32, #tpu.memory_space<vmem>>, vector<2048x1xf32>,
      %get3A_65 = arith.constant 0 : index
      %get3A_66 = arith.constant 0 : index
      %get3A_67 = vector.load %arg3[%get3A_65, %get3A_66] : memref<2048x896xf32, #tpu.memory_space<vmem>>, vector<2048x768xf32>
      %convert_element_type3A_68 = arith.truncf %get3A_67 : vector<2048x768xf32> to vector<2048x768xbf16>
      %swap3A_69 = arith.constant 0 : index
      %swap3A_70 = arith.constant 0 : index
      %swap3A_71 = vector.load %arg12[%swap3A_69, %swap3A_70] : memref<2048x768xbf16, #tpu.memory_space<vmem>>, vector<2048x768xbf16>
      tpu.vector_store %arg12[%swap3A_69, %swap3A_70], %convert_element_type3A_68 {strides = array<i32>} : memref<2048x768xbf16, #tpu.memory_space<vmem>>, vector<2048x768xbf16>,
      %get3A_72 = arith.constant 0 : index
      %get3A_73 = arith.constant 0 : index
      %get3A_74 = vector.load %arg3[%get3A_72, %get3A_73] : memref<2048x896xf32, #tpu.memory_space<vmem>>, vector<2048x768xf32>
      %get3A_75 = arith.constant 0 : index
      %get3A_76 = arith.constant 0 : index
      %get3A_77 = vector.load %arg6[%get3A_75, %get3A_76] : memref<768x4xf32, #tpu.memory_space<vmem>>, vector<768x4xf32>
      %dot_general3A = arith.constant dense<0.000000e+00> : vector<2048x4xf32>
      %dot_general3A_78 = tpu.matmul %get3A_74, %get3A_77, %dot_general3A {dimension_numbers = #tpu.dot_dimension_numbers<[1], [0], [0], [1], [0, 0, 1, 1], [], []>, transpose_lhs_hint = false} : vector<2048x768xf32>, vector<768x4xf32>, vector<2048x4xf32> -> vector<2048x4xf32>
      %mul3A_79 = arith.constant 0.693147182 : f32
      %mul3A_80 = vector.broadcast %mul3A_79 : f32 to vector<2048x4xf32>
      %mul3A_81 = arith.mulf %dot_general3A_78, %mul3A_80 : vector<2048x4xf32>
      %get3A_82 = arith.constant 0 : index
      %get3A_83 = arith.constant 0 : index
      %get3A_84 = vector.load %arg7[%get3A_82, %get3A_83] : memref<1x4xf32, #tpu.memory_space<vmem>>, vector<1x4xf32>
      %add3A_85 = vector.broadcast %get3A_84 : vector<1x4xf32> to vector<2048x4xf32>
      %add3A_86 = arith.addf %mul3A_81, %add3A_85 : vector<2048x4xf32>
      %reduce_max3A = arith.constant dense<0xFF800000> : vector<2048xf32>
      %reduce_max3A_87 = vector.multi_reduction <maximumf>, %add3A_86, %reduce_max3A [1] : vector<2048x4xf32> to vector<2048xf32>
      %broadcast_in_dim3A_88 = vector.shape_cast %reduce_max3A_87 : vector<2048xf32> to vector<2048x1xf32>
      %sub3A = vector.broadcast %broadcast_in_dim3A_88 : vector<2048x1xf32> to vector<2048x4xf32>
      %sub3A_89 = arith.subf %add3A_86, %sub3A : vector<2048x4xf32>
      %exp3A = math.exp %sub3A_89 : vector<2048x4xf32>
      %reduce_sum3A = arith.constant dense<0.000000e+00> : vector<2048xf32>
      %reduce_sum3A_90 = vector.multi_reduction <add>, %exp3A, %reduce_sum3A [1] : vector<2048x4xf32> to vector<2048xf32>
      %broadcast_in_dim3A_91 = vector.shape_cast %reduce_sum3A_90 : vector<2048xf32> to vector<2048x1xf32>
      %log3A = math.log %broadcast_in_dim3A_91 : vector<2048x1xf32>
      %add3A_92 = arith.addf %broadcast_in_dim3A_88, %log3A : vector<2048x1xf32>
      %iota3A_93 = tpu.iota {dimensions = array<i32: 1>} : vector<1x4xi32>
      %get3A_94 = arith.constant 0 : index
      %get3A_95 = arith.constant 768 : index
      %get3A_96 = vector.load %arg3[%get3A_94, %get3A_95] : memref<2048x896xf32, #tpu.memory_space<vmem>>, vector<2048x1xf32>
      %ge3A_97 = arith.constant 2.000000e+03 : f32
      %ge3A_98 = vector.broadcast %ge3A_97 : f32 to vector<2048x1xf32>
      %ge3A_99 = arith.cmpf oge, %get3A_96, %ge3A_98 : vector<2048x1xf32>
      %convert_element_type3A_100 = arith.extui %ge3A_99 : vector<2048x1xi1> to vector<2048x1xi32>
      %mul3A_101 = arith.constant 1 : i32
      %mul3A_102 = vector.broadcast %mul3A_101 : i32 to vector<2048x1xi32>
      %mul3A_103 = arith.muli %convert_element_type3A_100, %mul3A_102 : vector<2048x1xi32>
      %ge3A_104 = arith.constant 1.000000e+04 : f32
      %ge3A_105 = vector.broadcast %ge3A_104 : f32 to vector<2048x1xf32>
      %ge3A_106 = arith.cmpf oge, %get3A_96, %ge3A_105 : vector<2048x1xf32>
      %convert_element_type3A_107 = arith.extui %ge3A_106 : vector<2048x1xi1> to vector<2048x1xi32>
      %mul3A_108 = arith.constant 1 : i32
      %mul3A_109 = vector.broadcast %mul3A_108 : i32 to vector<2048x1xi32>
      %mul3A_110 = arith.muli %convert_element_type3A_107, %mul3A_109 : vector<2048x1xi32>
      %add3A_111 = arith.addi %mul3A_103, %mul3A_110 : vector<2048x1xi32>
      %ge3A_112 = arith.constant 5.000000e+04 : f32
      %ge3A_113 = vector.broadcast %ge3A_112 : f32 to vector<2048x1xf32>
      %ge3A_114 = arith.cmpf oge, %get3A_96, %ge3A_113 : vector<2048x1xf32>
      %convert_element_type3A_115 = arith.extui %ge3A_114 : vector<2048x1xi1> to vector<2048x1xi32>
      %mul3A_116 = arith.constant 1 : i32
      %mul3A_117 = vector.broadcast %mul3A_116 : i32 to vector<2048x1xi32>
      %mul3A_118 = arith.muli %convert_element_type3A_115, %mul3A_117 : vector<2048x1xi32>
      %add3A_119 = arith.addi %add3A_111, %mul3A_118 : vector<2048x1xi32>
      %eq3A_120 = vector.broadcast %iota3A_93 : vector<1x4xi32> to vector<2048x4xi32>
      %eq3A_121 = vector.broadcast %add3A_119 : vector<2048x1xi32> to vector<2048x4xi32>
      %eq3A_122 = arith.cmpi eq, %eq3A_120, %eq3A_121 : vector<2048x4xi32>
      %sub3A_123 = vector.broadcast %add3A_92 : vector<2048x1xf32> to vector<2048x4xf32>
      %sub3A_124 = arith.subf %add3A_86, %sub3A_123 : vector<2048x4xf32>
      %jit3A = arith.constant 0.000000e+00 : f32
      %broadcast_in_dim3A_125 = vector.broadcast %jit3A : f32 to vector<2048x4xf32>
      %select_n3A = arith.select %eq3A_122, %sub3A_124, %broadcast_in_dim3A_125 : vector<2048x4xi1>, vector<2048x4xf32>
      %reduce_sum3A_126 = arith.constant dense<0.000000e+00> : vector<2048xf32>
      %reduce_sum3A_127 = vector.multi_reduction <add>, %select_n3A, %reduce_sum3A_126 [1] : vector<2048x4xf32> to vector<2048xf32>
      %broadcast_in_dim3A_128 = vector.shape_cast %reduce_sum3A_127 : vector<2048xf32> to vector<2048x1xf32>
      %swap3A_129 = arith.constant 0 : index
      %swap3A_130 = arith.constant 0 : index
      %swap3A_131 = vector.load %arg11[%swap3A_129, %swap3A_130] : memref<2048x1xf32, #tpu.memory_space<vmem>>, vector<2048x1xf32>
      tpu.vector_store %arg11[%swap3A_129, %swap3A_130], %broadcast_in_dim3A_128 {strides = array<i32>} : memref<2048x1xf32, #tpu.memory_space<vmem>>, vector<2048x1xf32>,
    } else {
    }
    %mul3A = arith.constant 1024 : i32
    %mul3A_2 = arith.muli %arg0, %mul3A : i32
    %iota3A = tpu.iota {dimensions = array<i32: 1>} : vector<1x1024xi32>
    %add3A = vector.broadcast %mul3A_2 : i32 to vector<1x1024xi32>
    %add3A_3 = arith.addi %add3A, %iota3A : vector<1x1024xi32>
    %ne3A = arith.constant 1 : i32
    %ne3A_4 = arith.cmpi ne, %arg0, %ne3A : i32
    %and3A = arith.constant true
    %and3A_5 = arith.andi %and3A, %ne3A_4 : i1
    %ne3A_6 = arith.constant 9 : i32
    %ne3A_7 = arith.cmpi ne, %arg0, %ne3A_6 : i32
    %and3A_8 = arith.andi %and3A_5, %ne3A_7 : i1
    %ne3A_9 = arith.constant 48 : i32
    %ne3A_10 = arith.cmpi ne, %arg0, %ne3A_9 : i32
    %and3A_11 = arith.andi %and3A_8, %ne3A_10 : i1
    %ne3A_12 = arith.constant 97 : i32
    %ne3A_13 = arith.cmpi ne, %arg0, %ne3A_12 : i32
    %and3A_14 = arith.andi %and3A_11, %ne3A_13 : i1
    %mul3A_15 = arith.constant 1024 : i32
    %mul3A_16 = arith.muli %arg0, %mul3A_15 : i32
    %ge3A = arith.constant 2000 : i32
    %ge3A_17 = arith.cmpi sge, %mul3A_16, %ge3A : i32
    %convert_element_type3A_18 = arith.extui %ge3A_17 : i1 to i32
    %mul3A_19 = arith.constant 1 : i32
    %mul3A_20 = arith.muli %convert_element_type3A_18, %mul3A_19 : i32
    %ge3A_21 = arith.constant 10000 : i32
    %ge3A_22 = arith.cmpi sge, %mul3A_16, %ge3A_21 : i32
    %convert_element_type3A_23 = arith.extui %ge3A_22 : i1 to i32
    %mul3A_24 = arith.constant 1 : i32
    %mul3A_25 = arith.muli %convert_element_type3A_23, %mul3A_24 : i32
    %add3A_26 = arith.addi %mul3A_20, %mul3A_25 : i32
    %ge3A_27 = arith.constant 50000 : i32
    %ge3A_28 = arith.cmpi sge, %mul3A_16, %ge3A_27 : i32
    %convert_element_type3A_29 = arith.extui %ge3A_28 : i1 to i32
    %mul3A_30 = arith.constant 1 : i32
    %mul3A_31 = arith.muli %convert_element_type3A_29, %mul3A_30 : i32
    %add3A_32 = arith.addi %add3A_26, %mul3A_31 : i32
    %get3A = arith.index_cast %arg0 : i32 to index
    %get3A_33 = memref.load %arg1[%get3A] : memref<98xi32, #tpu.memory_space<smem>>
    %get3A_34 = arith.constant 0 : index
    %get3A_35 = arith.constant 0 : index
    %get3A_36 = vector.load %arg4[%get3A_34, %get3A_35] : memref<768x1024xf32, #tpu.memory_space<vmem>>, vector<768x1024xf32>
    %convert_element_type3A_37 = arith.truncf %get3A_36 : vector<768x1024xf32> to vector<768x1024xbf16>
    %swap3A = arith.constant 0 : index
    %swap3A_38 = arith.constant 0 : index
    %swap3A_39 = vector.load %arg13[%swap3A, %swap3A_38] : memref<768x1024xbf16, #tpu.memory_space<vmem>>, vector<768x1024xbf16>
    tpu.vector_store %arg13[%swap3A, %swap3A_38], %convert_element_type3A_37 {strides = array<i32>} : memref<768x1024xbf16, #tpu.memory_space<vmem>>, vector<768x1024xbf16>,
    %get3A_40 = arith.index_cast %arg0 : i32 to index
    %get3A_41 = memref.load %arg2[%get3A_40] : memref<98xi32, #tpu.memory_space<smem>>
    %while3A = arith.constant 0 : i32
    %while3A_42 = arith.constant 0 : i32
    %while3A_43 = arith.subi %get3A_41, %while3A_42 : i32
    %while3A_44 = arith.addi %while3A_42, %while3A_43 : i32
    %while3A_45 = arith.constant 1 : i32
    %while3A_46 = arith.divsi %while3A_43, %while3A_45 : i32
    %while3A_47 = arith.muli %while3A_46, %while3A_45 : i32
    %while3A_48 = arith.addi %while3A_42, %while3A_47 : i32
    %while3A_49 = arith.constant 1 : i32
    scf.for %while3A_56 = %while3A_42 to %while3A_48 step %while3A_49  : i32 {
      %add3A_57 = arith.addi %get3A_33, %while3A_56 : i32
      %mul3A_58 = arith.constant 256 : i32
      %mul3A_59 = arith.muli %add3A_57, %mul3A_58 : i32
      %get3A_60 = arith.index_cast %mul3A_59 : i32 to index
      %get3A_61 = arith.constant 0 : index
      %get3A_62 = vector.load %arg12[%get3A_60, %get3A_61] : memref<2048x768xbf16, #tpu.memory_space<vmem>>, vector<256x768xbf16>
      %get3A_63 = arith.constant 0 : index
      %get3A_64 = arith.constant 0 : index
      %get3A_65 = vector.load %arg13[%get3A_63, %get3A_64] : memref<768x1024xbf16, #tpu.memory_space<vmem>>, vector<768x1024xbf16>
      %dot_general3A = arith.constant dense<0.000000e+00> : vector<256x1024xf32>
      %dot_general3A_66 = tpu.matmul %get3A_62, %get3A_65, %dot_general3A {dimension_numbers = #tpu.dot_dimension_numbers<[1], [0], [0], [1], [0, 0, 1, 1], [], []>, transpose_lhs_hint = false} : vector<256x768xbf16>, vector<768x1024xbf16>, vector<256x1024xf32> -> vector<256x1024xf32>
      %get3A_67 = arith.constant 0 : index
      %get3A_68 = arith.constant 0 : index
      %get3A_69 = vector.load %arg5[%get3A_67, %get3A_68] : memref<1x1024xf32, #tpu.memory_space<vmem>>, vector<1x1024xf32>
      %add3A_70 = vector.broadcast %get3A_69 : vector<1x1024xf32> to vector<256x1024xf32>
      %add3A_71 = arith.addf %dot_general3A_66, %add3A_70 : vector<256x1024xf32>
      %get3A_72 = arith.index_cast %mul3A_59 : i32 to index
      %get3A_73 = arith.constant 768 : index
      %get3A_74 = vector.load %arg3[%get3A_72, %get3A_73] : memref<2048x896xf32, #tpu.memory_space<vmem>>, vector<256x1xf32>
      %ge3A_75 = arith.constant 2.000000e+03 : f32
      %ge3A_76 = vector.broadcast %ge3A_75 : f32 to vector<256x1xf32>
      %ge3A_77 = arith.cmpf oge, %get3A_74, %ge3A_76 : vector<256x1xf32>
      %convert_element_type3A_78 = arith.extui %ge3A_77 : vector<256x1xi1> to vector<256x1xi32>
      %mul3A_79 = arith.constant 1 : i32
      %mul3A_80 = vector.broadcast %mul3A_79 : i32 to vector<256x1xi32>
      %mul3A_81 = arith.muli %convert_element_type3A_78, %mul3A_80 : vector<256x1xi32>
      %ge3A_82 = arith.constant 1.000000e+04 : f32
      %ge3A_83 = vector.broadcast %ge3A_82 : f32 to vector<256x1xf32>
      %ge3A_84 = arith.cmpf oge, %get3A_74, %ge3A_83 : vector<256x1xf32>
      %convert_element_type3A_85 = arith.extui %ge3A_84 : vector<256x1xi1> to vector<256x1xi32>
      %mul3A_86 = arith.constant 1 : i32
      %mul3A_87 = vector.broadcast %mul3A_86 : i32 to vector<256x1xi32>
      %mul3A_88 = arith.muli %convert_element_type3A_85, %mul3A_87 : vector<256x1xi32>
      %add3A_89 = arith.addi %mul3A_81, %mul3A_88 : vector<256x1xi32>
      %ge3A_90 = arith.constant 5.000000e+04 : f32
      %ge3A_91 = vector.broadcast %ge3A_90 : f32 to vector<256x1xf32>
      %ge3A_92 = arith.cmpf oge, %get3A_74, %ge3A_91 : vector<256x1xf32>
      %convert_element_type3A_93 = arith.extui %ge3A_92 : vector<256x1xi1> to vector<256x1xi32>
      %mul3A_94 = arith.constant 1 : i32
      %mul3A_95 = vector.broadcast %mul3A_94 : i32 to vector<256x1xi32>
      %mul3A_96 = arith.muli %convert_element_type3A_93, %mul3A_95 : vector<256x1xi32>
      %add3A_97 = arith.addi %add3A_89, %mul3A_96 : vector<256x1xi32>
      %exp23A = math.exp2 %add3A_71 : vector<256x1024xf32>
      %convert_element_type3A_98 = arith.extui %and3A_14 : i1 to i32
      %cond3A_99 = arith.constant 0 : i32
      %cond3A_100 = arith.cmpi ne, %convert_element_type3A_98, %cond3A_99 : i32
      scf.if %cond3A_100 {
        %reduce_sum3A_118 = arith.constant dense<0.000000e+00> : vector<256xf32>
        %reduce_sum3A_119 = vector.multi_reduction <add>, %exp23A, %reduce_sum3A_118 [1] : vector<256x1024xf32> to vector<256xf32>
        %broadcast_in_dim3A_120 = vector.shape_cast %reduce_sum3A_119 : vector<256xf32> to vector<256x1xf32>
        %get3A_121 = arith.index_cast %mul3A_59 : i32 to index
        %get3A_122 = arith.constant 0 : index
        %get3A_123 = vector.load %arg9[%get3A_121, %get3A_122] : memref<2048x1xf32, #tpu.memory_space<vmem>>, vector<256x1xf32>
        %eq3A_124 = vector.broadcast %add3A_32 : i32 to vector<256x1xi32>
        %eq3A_125 = arith.cmpi eq, %add3A_97, %eq3A_124 : vector<256x1xi32>
        %jit3A_126 = arith.constant 0.000000e+00 : f32
        %broadcast_in_dim3A_127 = vector.broadcast %jit3A_126 : f32 to vector<256x1xf32>
        %select_n3A_128 = arith.select %eq3A_125, %broadcast_in_dim3A_120, %broadcast_in_dim3A_127 : vector<256x1xi1>, vector<256x1xf32>
        %add3A_129 = arith.addf %get3A_123, %select_n3A_128 : vector<256x1xf32>
        %swap3A_130 = arith.index_cast %mul3A_59 : i32 to index
        %swap3A_131 = arith.constant 0 : index
        %swap3A_132 = vector.load %arg9[%swap3A_130, %swap3A_131] : memref<2048x1xf32, #tpu.memory_space<vmem>>, vector<256x1xf32>
        tpu.vector_store %arg9[%swap3A_130, %swap3A_131], %add3A_129 {strides = array<i32>} : memref<2048x1xf32, #tpu.memory_space<vmem>>, vector<256x1xf32>,
      } else {
      }
      %not3A = arith.constant true
      %not3A_101 = arith.xori %and3A_14, %not3A : i1
      %convert_element_type3A_102 = arith.extui %not3A_101 : i1 to i32
      %cond3A_103 = arith.constant 0 : i32
      %cond3A_104 = arith.cmpi ne, %convert_element_type3A_102, %cond3A_103 : i32
      scf.if %cond3A_104 {
        %lt3A = arith.constant 100000 : i32
        %lt3A_118 = vector.broadcast %lt3A : i32 to vector<1x1024xi32>
        %lt3A_119 = arith.cmpi slt, %add3A_3, %lt3A_118 : vector<1x1024xi32>
        %ge3A_120 = arith.constant 2000 : i32
        %ge3A_121 = vector.broadcast %ge3A_120 : i32 to vector<1x1024xi32>
        %ge3A_122 = arith.cmpi sge, %add3A_3, %ge3A_121 : vector<1x1024xi32>
        %convert_element_type3A_123 = arith.extui %ge3A_122 : vector<1x1024xi1> to vector<1x1024xi32>
        %mul3A_124 = arith.constant 1 : i32
        %mul3A_125 = vector.broadcast %mul3A_124 : i32 to vector<1x1024xi32>
        %mul3A_126 = arith.muli %convert_element_type3A_123, %mul3A_125 : vector<1x1024xi32>
        %ge3A_127 = arith.constant 10000 : i32
        %ge3A_128 = vector.broadcast %ge3A_127 : i32 to vector<1x1024xi32>
        %ge3A_129 = arith.cmpi sge, %add3A_3, %ge3A_128 : vector<1x1024xi32>
        %convert_element_type3A_130 = arith.extui %ge3A_129 : vector<1x1024xi1> to vector<1x1024xi32>
        %mul3A_131 = arith.constant 1 : i32
        %mul3A_132 = vector.broadcast %mul3A_131 : i32 to vector<1x1024xi32>
        %mul3A_133 = arith.muli %convert_element_type3A_130, %mul3A_132 : vector<1x1024xi32>
        %add3A_134 = arith.addi %mul3A_126, %mul3A_133 : vector<1x1024xi32>
        %ge3A_135 = arith.constant 50000 : i32
        %ge3A_136 = vector.broadcast %ge3A_135 : i32 to vector<1x1024xi32>
        %ge3A_137 = arith.cmpi sge, %add3A_3, %ge3A_136 : vector<1x1024xi32>
        %convert_element_type3A_138 = arith.extui %ge3A_137 : vector<1x1024xi1> to vector<1x1024xi32>
        %mul3A_139 = arith.constant 1 : i32
        %mul3A_140 = vector.broadcast %mul3A_139 : i32 to vector<1x1024xi32>
        %mul3A_141 = arith.muli %convert_element_type3A_138, %mul3A_140 : vector<1x1024xi32>
        %add3A_142 = arith.addi %add3A_134, %mul3A_141 : vector<1x1024xi32>
        %jit3A_143 = arith.constant -1 : i32
        %broadcast_in_dim3A_144 = vector.broadcast %jit3A_143 : i32 to vector<1x1024xi32>
        %select_n3A_145 = arith.select %lt3A_119, %add3A_142, %broadcast_in_dim3A_144 : vector<1x1024xi1>, vector<1x1024xi32>
        %get3A_146 = arith.index_cast %mul3A_59 : i32 to index
        %get3A_147 = arith.constant 0 : index
        %get3A_148 = vector.load %arg9[%get3A_146, %get3A_147] : memref<2048x1xf32, #tpu.memory_space<vmem>>, vector<256x1xf32>
        %eq3A_149 = vector.broadcast %select_n3A_145 : vector<1x1024xi32> to vector<256x1024xi32>
        %eq3A_150 = vector.broadcast %add3A_97 : vector<256x1xi32> to vector<256x1024xi32>
        %eq3A_151 = arith.cmpi eq, %eq3A_149, %eq3A_150 : vector<256x1024xi32>
        %jit3A_152 = arith.constant 0.000000e+00 : f32
        %broadcast_in_dim3A_153 = vector.broadcast %jit3A_152 : f32 to vector<256x1024xf32>
        %select_n3A_154 = arith.select %eq3A_151, %exp23A, %broadcast_in_dim3A_153 : vector<256x1024xi1>, vector<256x1024xf32>
        %reduce_sum3A_155 = arith.constant dense<0.000000e+00> : vector<256xf32>
        %reduce_sum3A_156 = vector.multi_reduction <add>, %select_n3A_154, %reduce_sum3A_155 [1] : vector<256x1024xf32> to vector<256xf32>
        %broadcast_in_dim3A_157 = vector.shape_cast %reduce_sum3A_156 : vector<256xf32> to vector<256x1xf32>
        %add3A_158 = arith.addf %get3A_148, %broadcast_in_dim3A_157 : vector<256x1xf32>
        %swap3A_159 = arith.index_cast %mul3A_59 : i32 to index
        %swap3A_160 = arith.constant 0 : index
        %swap3A_161 = vector.load %arg9[%swap3A_159, %swap3A_160] : memref<2048x1xf32, #tpu.memory_space<vmem>>, vector<256x1xf32>
        tpu.vector_store %arg9[%swap3A_159, %swap3A_160], %add3A_158 {strides = array<i32>} : memref<2048x1xf32, #tpu.memory_space<vmem>>, vector<256x1xf32>,
      } else {
      }
      %get3A_105 = arith.index_cast %mul3A_59 : i32 to index
      %get3A_106 = arith.constant 0 : index
      %get3A_107 = vector.load %arg10[%get3A_105, %get3A_106] : memref<2048x1xf32, #tpu.memory_space<vmem>>, vector<256x1xf32>
      %convert_element_type3A_108 = arith.sitofp %add3A_3 : vector<1x1024xi32> to vector<1x1024xf32>
      %eq3A_109 = vector.broadcast %convert_element_type3A_108 : vector<1x1024xf32> to vector<256x1024xf32>
      %eq3A_110 = vector.broadcast %get3A_74 : vector<256x1xf32> to vector<256x1024xf32>
      %eq3A_111 = arith.cmpf oeq, %eq3A_109, %eq3A_110 : vector<256x1024xf32>
      %jit3A = arith.constant 0.000000e+00 : f32
      %broadcast_in_dim3A = vector.broadcast %jit3A : f32 to vector<256x1024xf32>
      %select_n3A = arith.select %eq3A_111, %add3A_71, %broadcast_in_dim3A : vector<256x1024xi1>, vector<256x1024xf32>
      %reduce_sum3A = arith.constant dense<0.000000e+00> : vector<256xf32>
      %reduce_sum3A_112 = vector.multi_reduction <add>, %select_n3A, %reduce_sum3A [1] : vector<256x1024xf32> to vector<256xf32>
      %broadcast_in_dim3A_113 = vector.shape_cast %reduce_sum3A_112 : vector<256xf32> to vector<256x1xf32>
      %add3A_114 = arith.addf %get3A_107, %broadcast_in_dim3A_113 : vector<256x1xf32>
      %swap3A_115 = arith.index_cast %mul3A_59 : i32 to index
      %swap3A_116 = arith.constant 0 : index
      %swap3A_117 = vector.load %arg10[%swap3A_115, %swap3A_116] : memref<2048x1xf32, #tpu.memory_space<vmem>>, vector<256x1xf32>
      tpu.vector_store %arg10[%swap3A_115, %swap3A_116], %add3A_114 {strides = array<i32>} : memref<2048x1xf32, #tpu.memory_space<vmem>>, vector<256x1xf32>,
    }
    %while3A_50 = arith.constant 1 : i32
    scf.for %while3A_56 = %while3A_48 to %while3A_44 step %while3A_50  : i32 {
      %add3A_57 = arith.addi %get3A_33, %while3A_56 : i32
      %mul3A_58 = arith.constant 256 : i32
      %mul3A_59 = arith.muli %add3A_57, %mul3A_58 : i32
      %get3A_60 = arith.index_cast %mul3A_59 : i32 to index
      %get3A_61 = arith.constant 0 : index
      %get3A_62 = vector.load %arg12[%get3A_60, %get3A_61] : memref<2048x768xbf16, #tpu.memory_space<vmem>>, vector<256x768xbf16>
      %get3A_63 = arith.constant 0 : index
      %get3A_64 = arith.constant 0 : index
      %get3A_65 = vector.load %arg13[%get3A_63, %get3A_64] : memref<768x1024xbf16, #tpu.memory_space<vmem>>, vector<768x1024xbf16>
      %dot_general3A = arith.constant dense<0.000000e+00> : vector<256x1024xf32>
      %dot_general3A_66 = tpu.matmul %get3A_62, %get3A_65, %dot_general3A {dimension_numbers = #tpu.dot_dimension_numbers<[1], [0], [0], [1], [0, 0, 1, 1], [], []>, transpose_lhs_hint = false} : vector<256x768xbf16>, vector<768x1024xbf16>, vector<256x1024xf32> -> vector<256x1024xf32>
      %get3A_67 = arith.constant 0 : index
      %get3A_68 = arith.constant 0 : index
      %get3A_69 = vector.load %arg5[%get3A_67, %get3A_68] : memref<1x1024xf32, #tpu.memory_space<vmem>>, vector<1x1024xf32>
      %add3A_70 = vector.broadcast %get3A_69 : vector<1x1024xf32> to vector<256x1024xf32>
      %add3A_71 = arith.addf %dot_general3A_66, %add3A_70 : vector<256x1024xf32>
      %get3A_72 = arith.index_cast %mul3A_59 : i32 to index
      %get3A_73 = arith.constant 768 : index
      %get3A_74 = vector.load %arg3[%get3A_72, %get3A_73] : memref<2048x896xf32, #tpu.memory_space<vmem>>, vector<256x1xf32>
      %ge3A_75 = arith.constant 2.000000e+03 : f32
      %ge3A_76 = vector.broadcast %ge3A_75 : f32 to vector<256x1xf32>
      %ge3A_77 = arith.cmpf oge, %get3A_74, %ge3A_76 : vector<256x1xf32>
      %convert_element_type3A_78 = arith.extui %ge3A_77 : vector<256x1xi1> to vector<256x1xi32>
      %mul3A_79 = arith.constant 1 : i32
      %mul3A_80 = vector.broadcast %mul3A_79 : i32 to vector<256x1xi32>
      %mul3A_81 = arith.muli %convert_element_type3A_78, %mul3A_80 : vector<256x1xi32>
      %ge3A_82 = arith.constant 1.000000e+04 : f32
      %ge3A_83 = vector.broadcast %ge3A_82 : f32 to vector<256x1xf32>
      %ge3A_84 = arith.cmpf oge, %get3A_74, %ge3A_83 : vector<256x1xf32>
      %convert_element_type3A_85 = arith.extui %ge3A_84 : vector<256x1xi1> to vector<256x1xi32>
      %mul3A_86 = arith.constant 1 : i32
      %mul3A_87 = vector.broadcast %mul3A_86 : i32 to vector<256x1xi32>
      %mul3A_88 = arith.muli %convert_element_type3A_85, %mul3A_87 : vector<256x1xi32>
      %add3A_89 = arith.addi %mul3A_81, %mul3A_88 : vector<256x1xi32>
      %ge3A_90 = arith.constant 5.000000e+04 : f32
      %ge3A_91 = vector.broadcast %ge3A_90 : f32 to vector<256x1xf32>
      %ge3A_92 = arith.cmpf oge, %get3A_74, %ge3A_91 : vector<256x1xf32>
      %convert_element_type3A_93 = arith.extui %ge3A_92 : vector<256x1xi1> to vector<256x1xi32>
      %mul3A_94 = arith.constant 1 : i32
      %mul3A_95 = vector.broadcast %mul3A_94 : i32 to vector<256x1xi32>
      %mul3A_96 = arith.muli %convert_element_type3A_93, %mul3A_95 : vector<256x1xi32>
      %add3A_97 = arith.addi %add3A_89, %mul3A_96 : vector<256x1xi32>
      %exp23A = math.exp2 %add3A_71 : vector<256x1024xf32>
      %convert_element_type3A_98 = arith.extui %and3A_14 : i1 to i32
      %cond3A_99 = arith.constant 0 : i32
      %cond3A_100 = arith.cmpi ne, %convert_element_type3A_98, %cond3A_99 : i32
      scf.if %cond3A_100 {
        %reduce_sum3A_118 = arith.constant dense<0.000000e+00> : vector<256xf32>
        %reduce_sum3A_119 = vector.multi_reduction <add>, %exp23A, %reduce_sum3A_118 [1] : vector<256x1024xf32> to vector<256xf32>
        %broadcast_in_dim3A_120 = vector.shape_cast %reduce_sum3A_119 : vector<256xf32> to vector<256x1xf32>
        %get3A_121 = arith.index_cast %mul3A_59 : i32 to index
        %get3A_122 = arith.constant 0 : index
        %get3A_123 = vector.load %arg9[%get3A_121, %get3A_122] : memref<2048x1xf32, #tpu.memory_space<vmem>>, vector<256x1xf32>
        %eq3A_124 = vector.broadcast %add3A_32 : i32 to vector<256x1xi32>
        %eq3A_125 = arith.cmpi eq, %add3A_97, %eq3A_124 : vector<256x1xi32>
        %jit3A_126 = arith.constant 0.000000e+00 : f32
        %broadcast_in_dim3A_127 = vector.broadcast %jit3A_126 : f32 to vector<256x1xf32>
        %select_n3A_128 = arith.select %eq3A_125, %broadcast_in_dim3A_120, %broadcast_in_dim3A_127 : vector<256x1xi1>, vector<256x1xf32>
        %add3A_129 = arith.addf %get3A_123, %select_n3A_128 : vector<256x1xf32>
        %swap3A_130 = arith.index_cast %mul3A_59 : i32 to index
        %swap3A_131 = arith.constant 0 : index
        %swap3A_132 = vector.load %arg9[%swap3A_130, %swap3A_131] : memref<2048x1xf32, #tpu.memory_space<vmem>>, vector<256x1xf32>
        tpu.vector_store %arg9[%swap3A_130, %swap3A_131], %add3A_129 {strides = array<i32>} : memref<2048x1xf32, #tpu.memory_space<vmem>>, vector<256x1xf32>,
      } else {
      }
      %not3A = arith.constant true
      %not3A_101 = arith.xori %and3A_14, %not3A : i1
      %convert_element_type3A_102 = arith.extui %not3A_101 : i1 to i32
      %cond3A_103 = arith.constant 0 : i32
      %cond3A_104 = arith.cmpi ne, %convert_element_type3A_102, %cond3A_103 : i32
      scf.if %cond3A_104 {
        %lt3A = arith.constant 100000 : i32
        %lt3A_118 = vector.broadcast %lt3A : i32 to vector<1x1024xi32>
        %lt3A_119 = arith.cmpi slt, %add3A_3, %lt3A_118 : vector<1x1024xi32>
        %ge3A_120 = arith.constant 2000 : i32
        %ge3A_121 = vector.broadcast %ge3A_120 : i32 to vector<1x1024xi32>
        %ge3A_122 = arith.cmpi sge, %add3A_3, %ge3A_121 : vector<1x1024xi32>
        %convert_element_type3A_123 = arith.extui %ge3A_122 : vector<1x1024xi1> to vector<1x1024xi32>
        %mul3A_124 = arith.constant 1 : i32
        %mul3A_125 = vector.broadcast %mul3A_124 : i32 to vector<1x1024xi32>
        %mul3A_126 = arith.muli %convert_element_type3A_123, %mul3A_125 : vector<1x1024xi32>
        %ge3A_127 = arith.constant 10000 : i32
        %ge3A_128 = vector.broadcast %ge3A_127 : i32 to vector<1x1024xi32>
        %ge3A_129 = arith.cmpi sge, %add3A_3, %ge3A_128 : vector<1x1024xi32>
        %convert_element_type3A_130 = arith.extui %ge3A_129 : vector<1x1024xi1> to vector<1x1024xi32>
        %mul3A_131 = arith.constant 1 : i32
        %mul3A_132 = vector.broadcast %mul3A_131 : i32 to vector<1x1024xi32>
        %mul3A_133 = arith.muli %convert_element_type3A_130, %mul3A_132 : vector<1x1024xi32>
        %add3A_134 = arith.addi %mul3A_126, %mul3A_133 : vector<1x1024xi32>
        %ge3A_135 = arith.constant 50000 : i32
        %ge3A_136 = vector.broadcast %ge3A_135 : i32 to vector<1x1024xi32>
        %ge3A_137 = arith.cmpi sge, %add3A_3, %ge3A_136 : vector<1x1024xi32>
        %convert_element_type3A_138 = arith.extui %ge3A_137 : vector<1x1024xi1> to vector<1x1024xi32>
        %mul3A_139 = arith.constant 1 : i32
        %mul3A_140 = vector.broadcast %mul3A_139 : i32 to vector<1x1024xi32>
        %mul3A_141 = arith.muli %convert_element_type3A_138, %mul3A_140 : vector<1x1024xi32>
        %add3A_142 = arith.addi %add3A_134, %mul3A_141 : vector<1x1024xi32>
        %jit3A_143 = arith.constant -1 : i32
        %broadcast_in_dim3A_144 = vector.broadcast %jit3A_143 : i32 to vector<1x1024xi32>
        %select_n3A_145 = arith.select %lt3A_119, %add3A_142, %broadcast_in_dim3A_144 : vector<1x1024xi1>, vector<1x1024xi32>
        %get3A_146 = arith.index_cast %mul3A_59 : i32 to index
        %get3A_147 = arith.constant 0 : index
        %get3A_148 = vector.load %arg9[%get3A_146, %get3A_147] : memref<2048x1xf32, #tpu.memory_space<vmem>>, vector<256x1xf32>
        %eq3A_149 = vector.broadcast %select_n3A_145 : vector<1x1024xi32> to vector<256x1024xi32>
        %eq3A_150 = vector.broadcast %add3A_97 : vector<256x1xi32> to vector<256x1024xi32>
        %eq3A_151 = arith.cmpi eq, %eq3A_149, %eq3A_150 : vector<256x1024xi32>
        %jit3A_152 = arith.constant 0.000000e+00 : f32
        %broadcast_in_dim3A_153 = vector.broadcast %jit3A_152 : f32 to vector<256x1024xf32>
        %select_n3A_154 = arith.select %eq3A_151, %exp23A, %broadcast_in_dim3A_153 : vector<256x1024xi1>, vector<256x1024xf32>
        %reduce_sum3A_155 = arith.constant dense<0.000000e+00> : vector<256xf32>
        %reduce_sum3A_156 = vector.multi_reduction <add>, %select_n3A_154, %reduce_sum3A_155 [1] : vector<256x1024xf32> to vector<256xf32>
        %broadcast_in_dim3A_157 = vector.shape_cast %reduce_sum3A_156 : vector<256xf32> to vector<256x1xf32>
        %add3A_158 = arith.addf %get3A_148, %broadcast_in_dim3A_157 : vector<256x1xf32>
        %swap3A_159 = arith.index_cast %mul3A_59 : i32 to index
        %swap3A_160 = arith.constant 0 : index
        %swap3A_161 = vector.load %arg9[%swap3A_159, %swap3A_160] : memref<2048x1xf32, #tpu.memory_space<vmem>>, vector<256x1xf32>
        tpu.vector_store %arg9[%swap3A_159, %swap3A_160], %add3A_158 {strides = array<i32>} : memref<2048x1xf32, #tpu.memory_space<vmem>>, vector<256x1xf32>,
      } else {
      }
      %get3A_105 = arith.index_cast %mul3A_59 : i32 to index
      %get3A_106 = arith.constant 0 : index
      %get3A_107 = vector.load %arg10[%get3A_105, %get3A_106] : memref<2048x1xf32, #tpu.memory_space<vmem>>, vector<256x1xf32>
      %convert_element_type3A_108 = arith.sitofp %add3A_3 : vector<1x1024xi32> to vector<1x1024xf32>
      %eq3A_109 = vector.broadcast %convert_element_type3A_108 : vector<1x1024xf32> to vector<256x1024xf32>
      %eq3A_110 = vector.broadcast %get3A_74 : vector<256x1xf32> to vector<256x1024xf32>
      %eq3A_111 = arith.cmpf oeq, %eq3A_109, %eq3A_110 : vector<256x1024xf32>
      %jit3A = arith.constant 0.000000e+00 : f32
      %broadcast_in_dim3A = vector.broadcast %jit3A : f32 to vector<256x1024xf32>
      %select_n3A = arith.select %eq3A_111, %add3A_71, %broadcast_in_dim3A : vector<256x1024xi1>, vector<256x1024xf32>
      %reduce_sum3A = arith.constant dense<0.000000e+00> : vector<256xf32>
      %reduce_sum3A_112 = vector.multi_reduction <add>, %select_n3A, %reduce_sum3A [1] : vector<256x1024xf32> to vector<256xf32>
      %broadcast_in_dim3A_113 = vector.shape_cast %reduce_sum3A_112 : vector<256xf32> to vector<256x1xf32>
      %add3A_114 = arith.addf %get3A_107, %broadcast_in_dim3A_113 : vector<256x1xf32>
      %swap3A_115 = arith.index_cast %mul3A_59 : i32 to index
      %swap3A_116 = arith.constant 0 : index
      %swap3A_117 = vector.load %arg10[%swap3A_115, %swap3A_116] : memref<2048x1xf32, #tpu.memory_space<vmem>>, vector<256x1xf32>
      tpu.vector_store %arg10[%swap3A_115, %swap3A_116], %add3A_114 {strides = array<i32>} : memref<2048x1xf32, #tpu.memory_space<vmem>>, vector<256x1xf32>,
    }
    %eq3A_51 = arith.constant 97 : i32
    %eq3A_52 = arith.cmpi eq, %arg0, %eq3A_51 : i32
    %convert_element_type3A_53 = arith.extui %eq3A_52 : i1 to i32
    %cond3A_54 = arith.constant 0 : i32
    %cond3A_55 = arith.cmpi ne, %convert_element_type3A_53, %cond3A_54 : i32
    scf.if %cond3A_55 {
      %get3A_56 = arith.constant 0 : index
      %get3A_57 = arith.constant 0 : index
      %get3A_58 = vector.load %arg11[%get3A_56, %get3A_57] : memref<2048x1xf32, #tpu.memory_space<vmem>>, vector<2048x1xf32>
      %get3A_59 = arith.constant 0 : index
      %get3A_60 = arith.constant 0 : index
      %get3A_61 = vector.load %arg10[%get3A_59, %get3A_60] : memref<2048x1xf32, #tpu.memory_space<vmem>>, vector<2048x1xf32>
      %get3A_62 = arith.constant 0 : index
      %get3A_63 = arith.constant 0 : index
      %get3A_64 = vector.load %arg9[%get3A_62, %get3A_63] : memref<2048x1xf32, #tpu.memory_space<vmem>>, vector<2048x1xf32>
      %log3A = math.log %get3A_64 : vector<2048x1xf32>
      %log3A_65 = arith.constant 2.000000e+00 : f32
      %log3A_66 = math.log %log3A_65 : f32
      %div3A = vector.broadcast %log3A_66 : f32 to vector<2048x1xf32>
      %div3A_67 = arith.divf %log3A, %div3A : vector<2048x1xf32>
      %sub3A = arith.subf %get3A_61, %div3A_67 : vector<2048x1xf32>
      %mul3A_68 = arith.constant 0.693147182 : f32
      %mul3A_69 = vector.broadcast %mul3A_68 : f32 to vector<2048x1xf32>
      %mul3A_70 = arith.mulf %mul3A_69, %sub3A : vector<2048x1xf32>
      %add3A_71 = arith.addf %get3A_58, %mul3A_70 : vector<2048x1xf32>
      %neg3A = arith.constant 0.000000e+00 : f32
      %neg3A_72 = vector.broadcast %neg3A : f32 to vector<2048x1xf32>
      %neg3A_73 = arith.subf %neg3A_72, %add3A_71 : vector<2048x1xf32>
      %broadcast_in_dim3A = vector.shape_cast %neg3A_73 : vector<2048x1xf32> to vector<2048x1xf32>
      %broadcast_in_dim3A_74 = vector.broadcast %broadcast_in_dim3A : vector<2048x1xf32> to vector<2048x128xf32>
      %swap3A_75 = arith.constant 0 : index
      %swap3A_76 = arith.constant 0 : index
      %swap3A_77 = vector.load %arg8[%swap3A_75, %swap3A_76] : memref<2048x128xf32, #tpu.memory_space<vmem>>, vector<2048x128xf32>
      tpu.vector_store %arg8[%swap3A_75, %swap3A_76], %broadcast_in_dim3A_74 {strides = array<i32>} : memref<2048x128xf32, #tpu.memory_space<vmem>>, vector<2048x128xf32>,
    } else {
    }
    return
  }
  func.func @transform_0(%arg0: i32) -> i32 {
    %c0_i32 = arith.constant 0 : i32
    %c0_i32_0 = arith.constant 0 : i32
    return %c0_i32 : i32
  }
  func.func @transform_1(%arg0: i32) -> i32 {
    %c0_i32 = arith.constant 0 : i32
    %c0_i32_0 = arith.constant 0 : i32
    return %c0_i32 : i32
  }
  func.func @transform_2(%arg0: i32) -> (i32, i32) {
    %c0_i32 = arith.constant 0 : i32
    %c0_i32_0 = arith.constant 0 : i32
    %c0_i32_1 = arith.constant 0 : i32
    return %c0_i32, %c0_i32_0 : i32, i32
  }
  func.func @transform_3(%arg0: i32) -> (i32, i32) {
    %c0_i32 = arith.constant 0 : i32
    %c0_i32_0 = arith.constant 0 : i32
    return %c0_i32, %arg0 : i32, i32
  }
  func.func @transform_4(%arg0: i32) -> (i32, i32) {
    %c0_i32 = arith.constant 0 : i32
    %c0_i32_0 = arith.constant 0 : i32
    return %c0_i32, %arg0 : i32, i32
  }
  func.func @transform_5(%arg0: i32) -> (i32, i32) {
    %c0_i32 = arith.constant 0 : i32
    %c0_i32_0 = arith.constant 0 : i32
    %c0_i32_1 = arith.constant 0 : i32
    return %c0_i32, %c0_i32_0 : i32, i32
  }
  func.func @transform_6(%arg0: i32) -> (i32, i32) {
    %c0_i32 = arith.constant 0 : i32
    %c0_i32_0 = arith.constant 0 : i32
    %c0_i32_1 = arith.constant 0 : i32
    return %c0_i32, %c0_i32_0 : i32, i32
  }
  func.func @transform_7(%arg0: i32) -> (i32, i32) {
    %c0_i32 = arith.constant 0 : i32
    %c0_i32_0 = arith.constant 0 : i32
    %c0_i32_1 = arith.constant 0 : i32
    return %c0_i32, %c0_i32_0 : i32, i32
  }
}

</mosaic_0001>

<sc_bundles>
// kernel: kernel.5.cloned.1.call-start
scs
__scs_entry_jumppad:
0x0: {  	(pc) =	sbr.rel $0x88, $3  }
0x1: {  	(tag) =	ssettag $0x0;
	lr =	simm.s32 $0x1  }
0x2: {  	[smem:$0x3F9B] =	sst lr;
	_ =	strace $0xD0000000  }
0x3: {  	_ = 	snop  }
0x4: {  	_ = 	snop  }
0x5: {  	_ = 	snop  }
0x6: {  	_ = 	snop  }
0x7: {  	_ = 	snop  }
__scs_overlays_trampoline_lowered:
0x8: {  	[smem:$0x3FAA] =	sst s0  }
0x9: {  	[smem:$0x3FAB] =	sst s1  }
0xa: {  	[smem:$0x3FAC] =	sst s2  }
0xb: {  	[smem:$0x3FAD] =	sst s3  }
0xc: {  	[smem:$0x3FAE] =	sst s4  }
0xd: {  	[smem:$0x3FAF] =	sst s5  }
0xe: {  	[smem:$0x3FB0] =	sst s6  }
0xf: {  	[smem:$0x3FB1] =	sst s7  }
0x10: {  	[smem:$0x3FB2] =	sst s8  }
0x11: {  	[smem:$0x3FB3] =	sst s9;
	s0 =	simm.s32 @!p0 $0x0  }
0x12: {  	s1 =	sld [smem:$0x3F99];
	s0 =	simm.s32 @p0 $0x1  }
0x13: {  	[smem:$0x3FB4] =	sst s0;
	s0 =	simm.s32 @!p1 $0x0  }
0x14: {  	s2 =	sld [smem:$0x3F98];
	s0 =	simm.s32 @p1 $0x1  }
0x15: {  	[smem:$0x3FB5] =	sst s0;
	s0 =	simm.s32 @!p2 $0x0  }
0x16: {  	s3 =	sld [smem:$0x3FDB];
	s0 =	simm.s32 @p2 $0x1  }
0x17: {  	s4 =	simm.s32 $0x1BF5;
	[smem:$0x3FB7] =	sst s0  }
0x18: {  	s0 =	sld [smem:$0x3F9A];
	_ =	swait.ge [sflag:s4], $0x0  }
0x19: {  	s7 =	sld [smem:$0x3F9B]  }
0x1a: {  	s8 =	sadd.s32 $0xFFFFE003, lr  }
0x1b: {  	s9 =	sadd.s32 $0xFFFFFEF7, lr;
	s5 =	simm.s32 $0xFFFFFFFF;
	p2 =	slt.u32 s8, $0xFFFFF086  }
0x1c: {  	p1 =	slt.u32 s9, $0xF7A;
	s5 =	simm.s32 @!p2 $0x0  }
0x1d: {  	s5 =	simm.s32 @p1 $0x1;
	p0 =	seq.s32 s7, s2  }
0x1e: {  	s7 =	smul.u32 @!p0 $0xF7A, s2;
	p2 =	seq.s32 @!p0 s5, $0x0  }
0x1f: {  	s9 =	smul.u32 $0xF7A, s1;
	s8 =	simm.s32 @!p0 $0x1BF5;
	p2 =	por !p2, p0  }
0x20: {  	[sflag:s8] =	ssyncset.s32 @!p0 $0xFFFFF086;
	s6 =	sadd.s32 @!p0 s3, s7;
	s7 =	simm.s32 @!p0 $0x108  }
0x21: {  	s3 =	sadd.s32 s3, s9;
	s6 =	sadd.s32 @!p0 $0x88, s6;
	s7 =	simm.s32 @p2 $0x1082  }
0x22: {  	[simem:s7], [sflag:s8] =	dma.local @!p0 [hbm:s6], $0xF7A  }
0x23: {  	s9 =	sor.u32 $0xD0000000, s2;
	s6 =	simm.s32 $0x108;
	_ =	swait.ge @!p0 [sflag:s8], $0x0  }
0x24: {  	s3 =	sadd.s32 $0x88, s3;
	s6 =	simm.s32 @!p1 $0x1082;
	[sflag:s4] =	ssyncset.s32 $0xFFFFF086  }
0x25: {  	[simem:s6], [sflag:s4] =	dma.local [hbm:s3], $0xF7A  }
0x26: {  	[smem:$0x3F9B] =	sst s1;
	(tag) =	ssettag s2;
	_ =	strace s9  }
0x27: {  	s1 =	sld [smem:$0x3FAB]  }
0x28: {  	s2 =	sld [smem:$0x3FAC]  }
0x29: {  	s4 =	sld [smem:$0x3FAE]  }
0x2a: {  	p0 =	seq.s32 s5, $0x0;
	s5 =	sld [smem:$0x3FAF]  }
0x2b: {  	s6 =	sld [smem:$0x3FB0]  }
0x2c: {  	s7 =	sld [smem:$0x3FB1]  }
0x2d: {  	s3 =	simm.s32 $0x108;
	s8 =	sld [smem:$0x3FB2]  }
0x2e: {  	s3 =	simm.s32 @!p0 $0x1082;
	s9 =	sld [smem:$0x3FB3]  }
0x2f: {  	lr =	sadd.s32 s0, s3;
	s0 =	sld [smem:$0x3FAA]  }
0x30: {  	s3 =	sld [smem:$0x3FAD]  }
0x31: {  	[smem:$0x3FB6] =	sst s10  }
0x32: {  	s10 =	sld [smem:$0x3FB4];
	_ =	sdelay $0x3  }
0x33: {  	p0 =	seq.s32 s10, $0x1;
	s10 =	sld [smem:$0x3FB6];
	_ =	sdelay $0x3  }
0x34: {  	[smem:$0x3FB6] =	sst s10  }
0x35: {  	s10 =	sld [smem:$0x3FB5];
	_ =	sdelay $0x3  }
0x36: {  	p1 =	seq.s32 s10, $0x1;
	s10 =	sld [smem:$0x3FB6];
	_ =	sdelay $0x3  }
0x37: {  	[smem:$0x3FB6] =	sst s10  }
0x38: {  	s10 =	sld [smem:$0x3FB7]  }
0x39: {  	_ = 	snop;
	(pc) =	sbr.ind lr, $3  }
0x3a: {  	_ = 	snop  }
0x3b: {  	_ = 	snop  }
0x3c: {  	p2 =	seq.s32 s10, $0x1;
	s10 =	sld [smem:$0x3FB6]  }
0x3d: {  	_ =	shalt  }
0x3e: {  	_ =	shalt  }
0x3f: {  	_ =	shalt  }
0x40: {  	_ =	shalt  }
0x41: {  	_ =	shalt  }
0x42: {  	_ =	shalt  }
0x43: {  	_ =	shalt  }
0x44: {  	_ =	shalt  }
0x45: {  	_ =	shalt  }
0x46: {  	_ =	shalt  }
0x47: {  	_ =	shalt  }
0x48: {  	_ =	shalt  }
0x49: {  	_ =	shalt  }
0x4a: {  	_ =	shalt  }
0x4b: {  	_ =	shalt  }
0x4c: {  	_ =	shalt  }
0x4d: {  	_ =	shalt  }
0x4e: {  	_ =	shalt  }
0x4f: {  	_ =	shalt  }
0x50: {  	_ =	shalt  }
0x51: {  	_ =	shalt  }
0x52: {  	_ =	shalt  }
0x53: {  	_ =	shalt  }
0x54: {  	_ =	shalt  }
0x55: {  	_ =	shalt  }
0x56: {  	_ =	shalt  }
0x57: {  	_ =	shalt  }
0x58: {  	_ =	shalt  }
0x59: {  	_ =	shalt  }
0x5a: {  	_ =	shalt  }
0x5b: {  	_ =	shalt  }
0x5c: {  	_ =	shalt  }
0x5d: {  	_ =	shalt  }
0x5e: {  	_ =	shalt  }
0x5f: {  	_ =	shalt  }
0x60: {  	_ =	shalt  }
0x61: {  	_ =	shalt  }
0x62: {  	_ =	shalt  }
0x63: {  	_ =	shalt  }
0x64: {  	_ =	shalt  }
0x65: {  	_ =	shalt  }
0x66: {  	_ =	shalt  }
0x67: {  	_ =	shalt  }
0x68: {  	_ =	shalt  }
0x69: {  	_ =	shalt  }
0x6a: {  	_ =	shalt  }
0x6b: {  	_ =	shalt  }
0x6c: {  	_ =	shalt  }
0x6d: {  	_ =	shalt  }
0x6e: {  	_ =	shalt  }
0x6f: {  	_ =	shalt  }
0x70: {  	_ =	shalt  }
0x71: {  	_ =	shalt  }
0x72: {  	_ =	shalt  }
0x73: {  	_ =	shalt  }
0x74: {  	_ =	shalt  }
0x75: {  	_ =	shalt  }
0x76: {  	_ =	shalt  }
0x77: {  	_ =	shalt  }
0x78: {  	_ =	shalt  }
0x79: {  	_ =	shalt  }
0x7a: {  	_ =	shalt  }
0x7b: {  	_ =	shalt  }
0x7c: {  	_ =	shalt  }
0x7d: {  	_ =	shalt  }
0x7e: {  	_ =	shalt  }
0x7f: {  	_ =	shalt  }
0x80: {  	_ =	shalt  }
0x81: {  	_ =	shalt  }
0x82: {  	_ =	shalt  }
0x83: {  	_ =	shalt  }
0x84: {  	_ =	shalt  }
0x85: {  	_ =	shalt  }
0x86: {  	_ =	shalt  }
0x87: {  	_ =	shalt  }
.Lfunc_end0:
.L_simem_size_0:
called_computation_lowered:
.L_overlay_start_0:
0x88: {  	s2 =	sld [smem:$0x3FD9]  }
0x89: {  	s3 =	sld [smem:$0x3FFE];
	_ =	sdelay $0x1  }
0x8a: {  	s1 =	srdreg.scid  }
0x8b: {  	s0 =	sand.u32 $0x1, s1  }
0x8c: {  	s17 =	sshll.u32 s0, $0xA;
	s2 =	sadd.s32 s3, s2  }
0x8d: {  	s2 =	sadd.s32 s2, s17  }
0x8e: {  	[smem:$0x3FC2] =	sst s2  }
0x8f: {  	_ = 	snop  }
0x90: {  	s2 =	sld [smem:$0x3FD0];
	(tm) =	ssettm $0x1  }
0x91: {  	s18 =	sld [smem:$0x3FFB];
	_ =	sdelay $0x3  }
0x92: {  	_ =	strace s18  }
0x93: {  	s3 =	sld [smem:$0x3FFC];
	_ =	sdelay $0x3  }
0x94: {  	_ =	strace s3  }
0x95: {  	s3 =	sld [smem:$0x3FFD];
	_ =	sdelay $0x3  }
0x96: {  	_ =	strace s3  }
0x97: {  	_ =	strace $0x8FFFFFFF  }
0x98: {  	s19 =	sld [smem:$0x3FDB];
	_ =	sdelay $0x1  }
0x99: {  	s4 =	simm.s32 $_scs_section_size  }
0x9a: {  	s5 =	simm.s32 $_size__tile_overlayer_lowered;
	s6 =	simm.s32 $_tile_overlayer_lowered  }
0x9b: {  	s22 =	simm.s32 $0x1BFF;
	s21 =	sshll.u32 s6, $0x1;
	s3 =	sadd.s32 s4, s19  }
0x9c: {  	s7 =	simm.s32 $0x0;
	s20 =	sshll.u32 s5, $0x1;
	s5 =	sadd.s32 s21, s3  }
0x9d: {  	[timem:s7], [sflag:s22] =	dma.local [hbm:s5], s20  }
0x9e: {  	_ =	swait.ge [sflag:s22], s20  }
0x9f: {  	s4 =	ssub.s32 $0x0, s20;
	[sflag:s22] =	ssyncset.done $0x0  }
0xa0: {  	[sflag:s22] =	ssyncadd.s32 s4;
	_ =	sdelay $0x1  }
0xa1: {  	s23 =	simm.s32 $0x1B8B  }
0xa2: {  	_ =	swait.ge [sflag:s23], $0x1  }
0xa3: {  	[sflag:s23] =	ssyncset.done $0x0  }
0xa4: {  	s25 =	simm.s32 $0x1B8E;
	s24 =	sld [smem:$0x3FFE];
	[sflag:s23] =	ssyncadd.s32 $0xFFFFFFFF  }
0xa5: {  	s26 =	simm.s32 $execute0_lowered;
	[smem:$0x3FD2] =	sst s25  }
0xa6: {  	s5 =	sshll.u32 s26, $0x1;
	_ =	strace $0x80000046;
	[dreg:$0x1] =	wrdreg $0xFFFFFFFF  }
0xa7: {  	s28 =	simm.s32 $_size_execute0_lowered;
	s3 =	sadd.s32 s3, s5;
	[dreg:$0x0] =	wrdreg $0x0  }
0xa8: {  	s5 =	sshll.u32 s28, $0x1;
	[dreg:$0x2] =	wrdreg s3  }
0xa9: {  	[dreg:$0x3] =	wrdreg s5  }
0xaa: {  	[dreg:$0x4] =	wrdreg $0xC0  }
0xab: {  	_ =	task [dreg:s7], $0x5FFFF  }
0xac: {  	[dreg:$0x1] =	wrdreg $0xFFFFFFFF  }
0xad: {  	[dreg:$0x0] =	wrdreg $0x60  }
0xae: {  	[dreg:$0x2] =	wrdreg s24  }
0xaf: {  	[dreg:$0x3] =	wrdreg s2  }
0xb0: {  	[dreg:$0x4] =	wrdreg $0x9  }
0xb1: {  	_ =	task.clear_ibuf [dreg:s7], $0x5FFFF;
	_ =	strace $0x90000046  }
0xb2: {  	s29 =	simm.s32 $0x9;
	_ =	strace $0x80000048  }
0xb3: {  	_ =	swait.ge [sflag:s29], $0x1  }
0xb4: {  	[sflag:s29] =	ssyncadd.s32 $0xFFFFFFFF  }
0xb5: {  	_ =	strace $0x90000048  }
0xb6: {  	_ =	sfence  }
0xb7: {  	s30 =	sld [smem:$0x0];
	_ =	sdelay $0x2  }
0xb8: {  	s31 =	sshll.u32 s1, $0xD;
	s1 =	sshrl.u32 s1, $0x2  }
0xb9: {  	s3 =	sand.u32 $0x4000, s31;
	s1 =	sadd.s32 s1, s30  }
0xba: {  	s0 =	sor.u32 s3, s0;
	s1 =	sshll.u32 s1, $0x11  }
0xbb: {  	s0 =	sor.u32 s1, s0  }
0xbc: {  	s0 =	sadd.s32 $0x8F2B, s0  }
0xbd: {  	[sflag:s0] =	ssyncadd.remote.s32 $0x1  }
0xbe: {  	_ =	sfence.sel $0xFFFF  }
0xbf: {  	[dreg:$0x0] =	wrdreg $0xFFFFFFFF;
	(pc) =	sbr.abs _section_cstart, $3  }
0xc0: {  	[dreg:$0x1] =	wrdreg $0xFFFFFFFF  }
0xc1: {  	_ =	task.clear_ibuf [dreg:s7], $0x2FFFF;
	_ =	strace $0x9FFFFFFF  }
0xc2: {  	(tm) =	ssettm $0x7FFFFFFF  }
0xc3: {  	_ =	shalt  }
tec
execute0_lowered:
.L_overlay_start_1:
0x0: {  	(tag) =	ssettag $0x1  }
0x1: {  	s1 =	srdreg.scid;
	s6 =	rddreg [dreg:$0x0]  }
0x2: {  	s0 =	stileid.u32;
	s4 =	rddreg [dreg:$0x1];
	s18 =	simm.s32 $0x880  }
0x3: {  	s19 =	simm.s32 $0x1080;
	s20 =	simm.s32 $0x1880;
	s22 =	simm.s32 $0x1C80  }
0x4: {  	s23 =	simm.s32 $0x2480;
	s7 =	simm.s32 $0x2C80;
	s1 =	sand.u32 $0x1, s1  }
0x5: {  	s24 =	simm.s32 $0x3480;
	s2 =	sshll.u32 s0, $0x4;
	s3 =	sshll.u32 s1, $0x3  }
0x6: {  	s8 =	simm.s32 $0x3880;
	s3 =	sor.u32 s3, s2;
	s2 =	simm.s32 $0x0  }
0x7: {  	s5 =	smul.u32 $0x380, s3;
	[smem:$0x7FF] =	sst s2;
	s3 =	sadd.s32 s4, s3  }
0x8: {  	s25 =	simm.s32 $0x4080;
	_ =	strace $0x80000047;
	[dreg:$0x3] =	wrdreg s3  }
0x9: {  	s26 =	simm.s32 $0x4880;
	s9 =	simm.s32 $0x80;
	[dreg:$0x5] =	wrdreg s18  }
0xa: {  	s11 =	simm.s32 $0x5480;
	s12 =	simm.s32 $0x5C80;
	[dreg:$0x6] =	wrdreg s19  }
0xb: {  	s13 =	simm.s32 $0x6480;
	s14 =	simm.s32 $0x6C80;
	[dreg:$0x7] =	wrdreg s20  }
0xc: {  	s15 =	simm.s32 $0x7080;
	s16 =	simm.s32 $0x7880;
	[dreg:$0x8] =	wrdreg s22  }
0xd: {  	s28 =	simm.s32 $0xC480;
	s29 =	simm.s32 $0xCC80;
	[dreg:$0x9] =	wrdreg s23  }
0xe: {  	s30 =	simm.s32 $0xD480;
	s1 =	ssub.s32 $0x2, s1;
	[dreg:$0xa] =	wrdreg s7  }
0xf: {  	s31 =	simm.s32 $0xDC80;
	s21 =	sshrl.u32 s1, $0x1;
	[dreg:$0xb] =	wrdreg s24  }
0x10: {  	s1 =	ssub.s32 s1, s21;
	s4 =	sadd.s32 $0x38300, s6;
	[dreg:$0xc] =	wrdreg s8  }
0x11: {  	s21 =	simm.s32 $0x9C80;
	s3 =	sadd.s32 $0x38200, s6;
	[dreg:$0xd] =	wrdreg s25  }
0x12: {  	s7 =	smax.u32 s1, $0x1;
	s8 =	simm.s32 $0x2;
	[dreg:$0xe] =	wrdreg s26  }
0x13: {  	s18 =	simm.s32 $0x8880;
	s19 =	simm.s32 $0x8C80;
	s20 =	simm.s32 $0x9480  }
0x14: {  	s22 =	simm.s32 $0xA480;
	s23 =	simm.s32 $0xA880;
	s24 =	simm.s32 $0xB080  }
0x15: {  	v2 =	vlaneseq.u32;
	s25 =	simm.s32 $0xB880;
	s26 =	simm.s32 $0xC080;
	s5 =	sadd.s32 s5, s6  }
0x16: {  	vm0 =	vmmov $0xffff;
	vm1 =	vmmov $0xff;
	v1 =	vshrl.u32 v2, $0x3;
	s1 =	simm.s32 $0x1;
	s17 =	sadd.s32 $0x200, s5;
	s5 =	sadd.s32 $0x38400, s6  }
0x17: {  	v0 =	vand.u32 $0x7, v2;
	v2 =	vor.u32 $0x8, v2;
	v1 =	vmul.u32 $0x8, v1;
	s6 =	sadd.s32 $0x38500, s6;
	[dreg:$0x4] =	wrdreg s17;
	s17 =	simm.s32 $0x8080  }
.LBB2_1:
0x18: {  	s0 =	rddreg [dreg:$0x3]  }
0x19: {  	[tilespmem:s2], [sflag:$0x2] =	stream.linear.gather [hbm4b:s0+s2], $0x40, $0x38;
	[tilespmem:$0xE080] =	vst v63  }
0x1a: {  	_ =	swait.ge [sflag:s8], $0x40  }
0x1b: {  	[sflag:s8] =	ssyncset.done $0x0  }
0x1c: {  	s10 =	rddreg [dreg:$0x4];
	[sflag:s8] =	ssyncadd.s32 $0xFFFFFFC0  }
0x1d: {  	[tilespmem:s9], [sflag:$0x2] =	stream.linear.gather [hbm4b:s10+s2], $0xE000, $0x38;
	[tilespmem:$0xE080] =	vst v63  }
0x1e: {  	_ =	swait.ge [sflag:s8], $0xE000  }
0x1f: {  	[sflag:s8] =	ssyncset.done $0x0  }
0x20: {  	[sflag:s8] =	ssyncadd.s32 $0xFFFF2000  }
0x21: {  	v3 =	vld [tilespmem:$0x0];
	_ =	sdelay $0x4  }
0x22: {  	v4 =	vshrl.u32 v3, $0x3  }
0x23: {  	v4 =	vmul.u32 $0x38, v4  }
0x24: {  	v3 =	vand.u32 $0x7, v3  }
0x25: {  	v3 =	vor.u32 v3, v4  }
0x26: {  	v4 =	vperm.xlane v3, v0;
	_ =	sdelay $0x1  }
0x27: {  	v4 =	vadd.s32 v1, v4;
	_ =	sdelay $0x4  }
0x28: {  	[hbm4b:s3+s2] =	stream.indirect_vreg.scatter [tilespmem:s9], [sflag:$0x1], $0x80, v4, vm0, $0xb8;
	[tilespmem:$0xE080] =	vst v63  }
0x29: {  	s0 =	rddreg [dreg:$0x5];
	v3 =	vperm.xlane v3, v2  }
0x2a: {  	[hbm4b:s4+s2] =	stream.indirect_vreg.scatter [tilespmem:s0], [sflag:$0x1], $0x80, v4, vm0, $0xb8;
	[tilespmem:$0xE080] =	vst v63  }
0x2b: {  	s10 =	rddreg [dreg:$0x6];
	v3 =	vadd.s32 v1, v3  }
0x2c: {  	[hbm4b:s5+s2] =	stream.indirect_vreg.scatter [tilespmem:s10], [sflag:$0x1], $0x80, v4, vm0, $0xb8;
	[tilespmem:$0xE080] =	vst v63  }
0x2d: {  	s0 =	rddreg [dreg:$0x7]  }
0x2e: {  	[hbm4b:s6+s2] =	stream.indirect_vreg.scatter [tilespmem:s0], [sflag:$0x1], $0x80, v4, vm1, $0xb8;
	[tilespmem:$0xE080] =	vst v63  }
0x2f: {  	s10 =	rddreg [dreg:$0x8]  }
0x30: {  	[hbm4b:s3+s2] =	stream.indirect_vreg.scatter [tilespmem:s10], [sflag:$0x1], $0x80, v3, vm0, $0xb8;
	[tilespmem:$0xE080] =	vst v63  }
0x31: {  	s0 =	rddreg [dreg:$0x9]  }
0x32: {  	[hbm4b:s4+s2] =	stream.indirect_vreg.scatter [tilespmem:s0], [sflag:$0x1], $0x80, v3, vm0, $0xb8;
	[tilespmem:$0xE080] =	vst v63  }
0x33: {  	s10 =	rddreg [dreg:$0xa]  }
0x34: {  	[hbm4b:s5+s2] =	stream.indirect_vreg.scatter [tilespmem:s10], [sflag:$0x1], $0x80, v3, vm0, $0xb8;
	[tilespmem:$0xE080] =	vst v63  }
0x35: {  	s0 =	rddreg [dreg:$0xb]  }
0x36: {  	[hbm4b:s6+s2] =	stream.indirect_vreg.scatter [tilespmem:s0], [sflag:$0x1], $0x80, v3, vm1, $0xb8;
	[tilespmem:$0xE080] =	vst v63  }
0x37: {  	v3 =	vld [tilespmem:$0x10];
	_ =	sdelay $0x4  }
0x38: {  	v61 =	vshrl.u32 v3, $0x3  }
0x39: {  	v4 =	vmul.u32 $0x38, v61  }
0x3a: {  	v3 =	vand.u32 $0x7, v3  }
0x3b: {  	v3 =	vor.u32 v3, v4  }
0x3c: {  	v4 =	vperm.xlane v3, v0;
	_ =	sdelay $0x1  }
0x3d: {  	v4 =	vadd.s32 v1, v4;
	_ =	sdelay $0x3  }
0x3e: {  	s0 =	rddreg [dreg:$0xc]  }
0x3f: {  	[hbm4b:s3+s2] =	stream.indirect_vreg.scatter [tilespmem:s0], [sflag:$0x1], $0x80, v4, vm0, $0xb8;
	[tilespmem:$0xE080] =	vst v63  }
0x40: {  	s10 =	rddreg [dreg:$0xd];
	v3 =	vperm.xlane v3, v2  }
0x41: {  	[hbm4b:s4+s2] =	stream.indirect_vreg.scatter [tilespmem:s10], [sflag:$0x1], $0x80, v4, vm0, $0xb8;
	[tilespmem:$0xE080] =	vst v63  }
0x42: {  	v3 =	vadd.s32 v1, v3;
	s0 =	rddreg [dreg:$0xe]  }
0x43: {  	[hbm4b:s5+s2] =	stream.indirect_vreg.scatter [tilespmem:s0], [sflag:$0x1], $0x80, v4, vm0, $0xb8;
	[tilespmem:$0xE080] =	vst v63  }
0x44: {  	s10 =	simm.s32 $0x5080  }
0x45: {  	[hbm4b:s6+s2] =	stream.indirect_vreg.scatter [tilespmem:s10], [sflag:$0x1], $0x80, v4, vm1, $0xb8;
	[tilespmem:$0xE080] =	vst v63  }
0x46: {  	_ = 	snop  }
0x47: {  	[hbm4b:s3+s2] =	stream.indirect_vreg.scatter [tilespmem:s11], [sflag:$0x1], $0x80, v3, vm0, $0xb8;
	[tilespmem:$0xE080] =	vst v63  }
0x48: {  	_ = 	snop  }
0x49: {  	[hbm4b:s4+s2] =	stream.indirect_vreg.scatter [tilespmem:s12], [sflag:$0x1], $0x80, v3, vm0, $0xb8;
	[tilespmem:$0xE080] =	vst v63  }
0x4a: {  	_ = 	snop  }
0x4b: {  	[hbm4b:s5+s2] =	stream.indirect_vreg.scatter [tilespmem:s13], [sflag:$0x1], $0x80, v3, vm0, $0xb8;
	[tilespmem:$0xE080] =	vst v63  }
0x4c: {  	_ = 	snop  }
0x4d: {  	[hbm4b:s6+s2] =	stream.indirect_vreg.scatter [tilespmem:s14], [sflag:$0x1], $0x80, v3, vm1, $0xb8;
	[tilespmem:$0xE080] =	vst v63  }
0x4e: {  	v3 =	vld [tilespmem:$0x20];
	_ =	sdelay $0x4  }
0x4f: {  	v62 =	vshrl.u32 v3, $0x3  }
0x50: {  	v4 =	vmul.u32 $0x38, v62  }
0x51: {  	v3 =	vand.u32 $0x7, v3  }
0x52: {  	v3 =	vor.u32 v3, v4  }
0x53: {  	v4 =	vperm.xlane v3, v0;
	_ =	sdelay $0x1  }
0x54: {  	v4 =	vadd.s32 v1, v4;
	_ =	sdelay $0x4  }
0x55: {  	[hbm4b:s3+s2] =	stream.indirect_vreg.scatter [tilespmem:s15], [sflag:$0x1], $0x80, v4, vm0, $0xb8;
	[tilespmem:$0xE080] =	vst v63  }
0x56: {  	v3 =	vperm.xlane v3, v2  }
0x57: {  	[hbm4b:s4+s2] =	stream.indirect_vreg.scatter [tilespmem:s16], [sflag:$0x1], $0x80, v4, vm0, $0xb8;
	[tilespmem:$0xE080] =	vst v63  }
0x58: {  	v3 =	vadd.s32 v1, v3  }
0x59: {  	[hbm4b:s5+s2] =	stream.indirect_vreg.scatter [tilespmem:s17], [sflag:$0x1], $0x80, v4, vm0, $0xb8;
	[tilespmem:$0xE080] =	vst v63  }
0x5a: {  	_ = 	snop  }
0x5b: {  	[hbm4b:s6+s2] =	stream.indirect_vreg.scatter [tilespmem:s18], [sflag:$0x1], $0x80, v4, vm1, $0xb8;
	[tilespmem:$0xE080] =	vst v63  }
0x5c: {  	_ = 	snop  }
0x5d: {  	[hbm4b:s3+s2] =	stream.indirect_vreg.scatter [tilespmem:s19], [sflag:$0x1], $0x80, v3, vm0, $0xb8;
	[tilespmem:$0xE080] =	vst v63  }
0x5e: {  	_ = 	snop  }
0x5f: {  	[hbm4b:s4+s2] =	stream.indirect_vreg.scatter [tilespmem:s20], [sflag:$0x1], $0x80, v3, vm0, $0xb8;
	[tilespmem:$0xE080] =	vst v63  }
0x60: {  	_ = 	snop  }
0x61: {  	[hbm4b:s5+s2] =	stream.indirect_vreg.scatter [tilespmem:s21], [sflag:$0x1], $0x80, v3, vm0, $0xb8;
	[tilespmem:$0xE080] =	vst v63  }
0x62: {  	_ = 	snop  }
0x63: {  	[hbm4b:s6+s2] =	stream.indirect_vreg.scatter [tilespmem:s22], [sflag:$0x1], $0x80, v3, vm1, $0xb8;
	[tilespmem:$0xE080] =	vst v63  }
0x64: {  	v3 =	vld [tilespmem:$0x30];
	_ =	sdelay $0x4  }
0x65: {  	v63 =	vshrl.u32 v3, $0x3  }
0x66: {  	v4 =	vmul.u32 $0x38, v63  }
0x67: {  	v3 =	vand.u32 $0x7, v3  }
0x68: {  	v3 =	vor.u32 v3, v4  }
0x69: {  	v4 =	vperm.xlane v3, v0;
	_ =	sdelay $0x1  }
0x6a: {  	v4 =	vadd.s32 v1, v4;
	_ =	sdelay $0x4  }
0x6b: {  	[hbm4b:s3+s2] =	stream.indirect_vreg.scatter [tilespmem:s23], [sflag:$0x1], $0x80, v4, vm0, $0xb8;
	[tilespmem:$0xE080] =	vst v63  }
0x6c: {  	v3 =	vperm.xlane v3, v2  }
0x6d: {  	[hbm4b:s4+s2] =	stream.indirect_vreg.scatter [tilespmem:s24], [sflag:$0x1], $0x80, v4, vm0, $0xb8;
	[tilespmem:$0xE080] =	vst v63  }
0x6e: {  	v3 =	vadd.s32 v1, v3  }
0x6f: {  	[hbm4b:s5+s2] =	stream.indirect_vreg.scatter [tilespmem:s25], [sflag:$0x1], $0x80, v4, vm0, $0xb8;
	[tilespmem:$0xE080] =	vst v63  }
0x70: {  	_ = 	snop  }
0x71: {  	[hbm4b:s6+s2] =	stream.indirect_vreg.scatter [tilespmem:s26], [sflag:$0x1], $0x80, v4, vm1, $0xb8;
	[tilespmem:$0xE080] =	vst v63  }
0x72: {  	_ = 	snop  }
0x73: {  	[hbm4b:s3+s2] =	stream.indirect_vreg.scatter [tilespmem:s28], [sflag:$0x1], $0x80, v3, vm0, $0xb8;
	[tilespmem:$0xE080] =	vst v63  }
0x74: {  	_ = 	snop  }
0x75: {  	[hbm4b:s4+s2] =	stream.indirect_vreg.scatter [tilespmem:s29], [sflag:$0x1], $0x80, v3, vm0, $0xb8;
	[tilespmem:$0xE080] =	vst v63  }
0x76: {  	p0 =	sne.s32 s7, $0x1  }
0x77: {  	[hbm4b:s5+s2] =	stream.indirect_vreg.scatter [tilespmem:s30], [sflag:$0x1], $0x80, v3, vm0, $0xb8;
	[tilespmem:$0xE080] =	vst v63  }
.Ltmp0:
0x78: {  	_ = 	snop;
	(pc) =	sbr.rel @p0 .LBB2_1-.Ltmp0, $4  }
0x79: {  	[hbm4b:s6+s2] =	stream.indirect_vreg.scatter [tilespmem:s31], [sflag:$0x1], $0x80, v3, vm1, $0xb8;
	[tilespmem:$0xE080] =	vst v63  }
0x7a: {  	_ =	swait.ge [sflag:s1], $0xE000  }
0x7b: {  	[sflag:s1] =	ssyncset.done $0x0  }
0x7c: {  	s7 =	sadd.s32 $0xFFFFFFFF, s7;
	[sflag:s1] =	ssyncadd.s32 $0xFFFF2000  }
0x7d: {  	_ =	sfence.sel $0x180000  }
0x7e: {  	[bflag:$0x0] =	sbarrier.arrive $0xFFFF  }
0x7f: {  	_ =	strace $0x90000047  }
0x80: {  	s0 =	stileid.u32;
	[bflag:$0x2] =	sbarrier.arrive $0xFFFF  }
0x81: {  	p0 =	sne.s32 s0, $0x0;
	s0 =	rddreg [dreg:$0x2]  }
0x82: {  	s0 =	sadd.s32 @!p0 $0x100000, s0  }
0x83: {  	[sflag:s0] =	ssyncadd.tile.s32 @!p0 $0x1;
	_ =	shalt  }
.Lfunc_end2:
_tile_overlayer_lowered:
.L_overlay_start_2:
0x84: {  	(tag) =	ssettag $0x2  }
0x85: {  	s0 =	rddreg [dreg:$0x0];
	s2 =	stileid.u32  }
0x86: {  	s1 =	rddreg [dreg:$0x1];
	p0 =	sne.s32 s2, $0x0  }
0x87: {  	s3 =	rddreg [dreg:$0x2];
	[bflag:$0x3] =	sbarrier.arrive $0xFFFF;
	s2 =	simm.s32 @!p0 $0x1C02  }
0x88: {  	[timem:s3], [sflag:s2] =	dma.local @!p0 [hbm:s0], s1  }
0x89: {  	s0 =	simm.s32 @!p0 $0x2  }
0x8a: {  	_ =	swait.ge @!p0 [sflag:s0], s1  }
0x8b: {  	s1 =	ssub.s32 @!p0 $0x0, s1;
	[sflag:s0] =	ssyncset.done @!p0 $0x0  }
0x8c: {  	[sflag:s0] =	ssyncadd.s32 @!p0 s1  }
0x8d: {  	[bflag:$0x3] =	sbarrier.arrive $0xFFFF  }
0x8e: {  	_ =	shalt  }

// kernel: kernel.8.cloned.1.call-start
scs
__scs_entry_jumppad:
0x0: {  	(pc) =	sbr.rel $0x88, $3  }
0x1: {  	(tag) =	ssettag $0x0;
	lr =	simm.s32 $0x1  }
0x2: {  	[smem:$0x3F9B] =	sst lr;
	_ =	strace $0xD0000000  }
0x3: {  	_ = 	snop  }
0x4: {  	_ = 	snop  }
0x5: {  	_ = 	snop  }
0x6: {  	_ = 	snop  }
0x7: {  	_ = 	snop  }
__scs_overlays_trampoline_lowered:
0x8: {  	[smem:$0x3FAA] =	sst s0  }
0x9: {  	[smem:$0x3FAB] =	sst s1  }
0xa: {  	[smem:$0x3FAC] =	sst s2  }
0xb: {  	[smem:$0x3FAD] =	sst s3  }
0xc: {  	[smem:$0x3FAE] =	sst s4  }
0xd: {  	[smem:$0x3FAF] =	sst s5  }
0xe: {  	[smem:$0x3FB0] =	sst s6  }
0xf: {  	[smem:$0x3FB1] =	sst s7  }
0x10: {  	[smem:$0x3FB2] =	sst s8  }
0x11: {  	[smem:$0x3FB3] =	sst s9;
	s0 =	simm.s32 @!p0 $0x0  }
0x12: {  	s1 =	sld [smem:$0x3F99];
	s0 =	simm.s32 @p0 $0x1  }
0x13: {  	[smem:$0x3FB4] =	sst s0;
	s0 =	simm.s32 @!p1 $0x0  }
0x14: {  	s2 =	sld [smem:$0x3F98];
	s0 =	simm.s32 @p1 $0x1  }
0x15: {  	[smem:$0x3FB5] =	sst s0;
	s0 =	simm.s32 @!p2 $0x0  }
0x16: {  	s3 =	sld [smem:$0x3FDB];
	s0 =	simm.s32 @p2 $0x1  }
0x17: {  	s4 =	simm.s32 $0x1BF5;
	[smem:$0x3FB7] =	sst s0  }
0x18: {  	s0 =	sld [smem:$0x3F9A];
	_ =	swait.ge [sflag:s4], $0x0  }
0x19: {  	s7 =	sld [smem:$0x3F9B]  }
0x1a: {  	s8 =	sadd.s32 $0xFFFFE003, lr  }
0x1b: {  	s9 =	sadd.s32 $0xFFFFFEF7, lr;
	s5 =	simm.s32 $0xFFFFFFFF;
	p2 =	slt.u32 s8, $0xFFFFF086  }
0x1c: {  	p1 =	slt.u32 s9, $0xF7A;
	s5 =	simm.s32 @!p2 $0x0  }
0x1d: {  	s5 =	simm.s32 @p1 $0x1;
	p0 =	seq.s32 s7, s2  }
0x1e: {  	s7 =	smul.u32 @!p0 $0xF7A, s2;
	p2 =	seq.s32 @!p0 s5, $0x0  }
0x1f: {  	s9 =	smul.u32 $0xF7A, s1;
	s8 =	simm.s32 @!p0 $0x1BF5;
	p2 =	por !p2, p0  }
0x20: {  	[sflag:s8] =	ssyncset.s32 @!p0 $0xFFFFF086;
	s6 =	sadd.s32 @!p0 s3, s7;
	s7 =	simm.s32 @!p0 $0x108  }
0x21: {  	s3 =	sadd.s32 s3, s9;
	s6 =	sadd.s32 @!p0 $0x88, s6;
	s7 =	simm.s32 @p2 $0x1082  }
0x22: {  	[simem:s7], [sflag:s8] =	dma.local @!p0 [hbm:s6], $0xF7A  }
0x23: {  	s9 =	sor.u32 $0xD0000000, s2;
	s6 =	simm.s32 $0x108;
	_ =	swait.ge @!p0 [sflag:s8], $0x0  }
0x24: {  	s3 =	sadd.s32 $0x88, s3;
	s6 =	simm.s32 @!p1 $0x1082;
	[sflag:s4] =	ssyncset.s32 $0xFFFFF086  }
0x25: {  	[simem:s6], [sflag:s4] =	dma.local [hbm:s3], $0xF7A  }
0x26: {  	[smem:$0x3F9B] =	sst s1;
	(tag) =	ssettag s2;
	_ =	strace s9  }
0x27: {  	s1 =	sld [smem:$0x3FAB]  }
0x28: {  	s2 =	sld [smem:$0x3FAC]  }
0x29: {  	s4 =	sld [smem:$0x3FAE]  }
0x2a: {  	p0 =	seq.s32 s5, $0x0;
	s5 =	sld [smem:$0x3FAF]  }
0x2b: {  	s6 =	sld [smem:$0x3FB0]  }
0x2c: {  	s7 =	sld [smem:$0x3FB1]  }
0x2d: {  	s3 =	simm.s32 $0x108;
	s8 =	sld [smem:$0x3FB2]  }
0x2e: {  	s3 =	simm.s32 @!p0 $0x1082;
	s9 =	sld [smem:$0x3FB3]  }
0x2f: {  	lr =	sadd.s32 s0, s3;
	s0 =	sld [smem:$0x3FAA]  }
0x30: {  	s3 =	sld [smem:$0x3FAD]  }
0x31: {  	[smem:$0x3FB6] =	sst s10  }
0x32: {  	s10 =	sld [smem:$0x3FB4];
	_ =	sdelay $0x3  }
0x33: {  	p0 =	seq.s32 s10, $0x1;
	s10 =	sld [smem:$0x3FB6];
	_ =	sdelay $0x3  }
0x34: {  	[smem:$0x3FB6] =	sst s10  }
0x35: {  	s10 =	sld [smem:$0x3FB5];
	_ =	sdelay $0x3  }
0x36: {  	p1 =	seq.s32 s10, $0x1;
	s10 =	sld [smem:$0x3FB6];
	_ =	sdelay $0x3  }
0x37: {  	[smem:$0x3FB6] =	sst s10  }
0x38: {  	s10 =	sld [smem:$0x3FB7]  }
0x39: {  	_ = 	snop;
	(pc) =	sbr.ind lr, $3  }
0x3a: {  	_ = 	snop  }
0x3b: {  	_ = 	snop  }
0x3c: {  	p2 =	seq.s32 s10, $0x1;
	s10 =	sld [smem:$0x3FB6]  }
0x3d: {  	_ =	shalt  }
0x3e: {  	_ =	shalt  }
0x3f: {  	_ =	shalt  }
0x40: {  	_ =	shalt  }
0x41: {  	_ =	shalt  }
0x42: {  	_ =	shalt  }
0x43: {  	_ =	shalt  }
0x44: {  	_ =	shalt  }
0x45: {  	_ =	shalt  }
0x46: {  	_ =	shalt  }
0x47: {  	_ =	shalt  }
0x48: {  	_ =	shalt  }
0x49: {  	_ =	shalt  }
0x4a: {  	_ =	shalt  }
0x4b: {  	_ =	shalt  }
0x4c: {  	_ =	shalt  }
0x4d: {  	_ =	shalt  }
0x4e: {  	_ =	shalt  }
0x4f: {  	_ =	shalt  }
0x50: {  	_ =	shalt  }
0x51: {  	_ =	shalt  }
0x52: {  	_ =	shalt  }
0x53: {  	_ =	shalt  }
0x54: {  	_ =	shalt  }
0x55: {  	_ =	shalt  }
0x56: {  	_ =	shalt  }
0x57: {  	_ =	shalt  }
0x58: {  	_ =	shalt  }
0x59: {  	_ =	shalt  }
0x5a: {  	_ =	shalt  }
0x5b: {  	_ =	shalt  }
0x5c: {  	_ =	shalt  }
0x5d: {  	_ =	shalt  }
0x5e: {  	_ =	shalt  }
0x5f: {  	_ =	shalt  }
0x60: {  	_ =	shalt  }
0x61: {  	_ =	shalt  }
0x62: {  	_ =	shalt  }
0x63: {  	_ =	shalt  }
0x64: {  	_ =	shalt  }
0x65: {  	_ =	shalt  }
0x66: {  	_ =	shalt  }
0x67: {  	_ =	shalt  }
0x68: {  	_ =	shalt  }
0x69: {  	_ =	shalt  }
0x6a: {  	_ =	shalt  }
0x6b: {  	_ =	shalt  }
0x6c: {  	_ =	shalt  }
0x6d: {  	_ =	shalt  }
0x6e: {  	_ =	shalt  }
0x6f: {  	_ =	shalt  }
0x70: {  	_ =	shalt  }
0x71: {  	_ =	shalt  }
0x72: {  	_ =	shalt  }
0x73: {  	_ =	shalt  }
0x74: {  	_ =	shalt  }
0x75: {  	_ =	shalt  }
0x76: {  	_ =	shalt  }
0x77: {  	_ =	shalt  }
0x78: {  	_ =	shalt  }
0x79: {  	_ =	shalt  }
0x7a: {  	_ =	shalt  }
0x7b: {  	_ =	shalt  }
0x7c: {  	_ =	shalt  }
0x7d: {  	_ =	shalt  }
0x7e: {  	_ =	shalt  }
0x7f: {  	_ =	shalt  }
0x80: {  	_ =	shalt  }
0x81: {  	_ =	shalt  }
0x82: {  	_ =	shalt  }
0x83: {  	_ =	shalt  }
0x84: {  	_ =	shalt  }
0x85: {  	_ =	shalt  }
0x86: {  	_ =	shalt  }
0x87: {  	_ =	shalt  }
.Lfunc_end0:
.L_simem_size_0:
called_computation.1_lowered:
.L_overlay_start_0:
0x88: {  	s2 =	sld [smem:$0x3FD9]  }
0x89: {  	s3 =	sld [smem:$0x3FFE];
	_ =	sdelay $0x1  }
0x8a: {  	s1 =	srdreg.scid  }
0x8b: {  	s0 =	sand.u32 $0x1, s1  }
0x8c: {  	s17 =	sshll.u32 s0, $0xA;
	s2 =	sadd.s32 s3, s2  }
0x8d: {  	s2 =	sadd.s32 s2, s17  }
0x8e: {  	[smem:$0x3FC2] =	sst s2  }
0x8f: {  	_ = 	snop  }
0x90: {  	s2 =	sld [smem:$0x3FD0];
	(tm) =	ssettm $0x1  }
0x91: {  	s18 =	sld [smem:$0x3FFB];
	_ =	sdelay $0x3  }
0x92: {  	_ =	strace s18  }
0x93: {  	s3 =	sld [smem:$0x3FFC];
	_ =	sdelay $0x3  }
0x94: {  	_ =	strace s3  }
0x95: {  	s3 =	sld [smem:$0x3FFD];
	_ =	sdelay $0x3  }
0x96: {  	_ =	strace s3  }
0x97: {  	_ =	strace $0x8FFFFFFF  }
0x98: {  	s19 =	sld [smem:$0x3FDB];
	_ =	sdelay $0x1  }
0x99: {  	s4 =	simm.s32 $_scs_section_size  }
0x9a: {  	s5 =	simm.s32 $_size__tile_overlayer_lowered;
	s6 =	simm.s32 $_tile_overlayer_lowered  }
0x9b: {  	s22 =	simm.s32 $0x1BFF;
	s21 =	sshll.u32 s6, $0x1;
	s3 =	sadd.s32 s4, s19  }
0x9c: {  	s7 =	simm.s32 $0x0;
	s20 =	sshll.u32 s5, $0x1;
	s5 =	sadd.s32 s21, s3  }
0x9d: {  	[timem:s7], [sflag:s22] =	dma.local [hbm:s5], s20  }
0x9e: {  	_ =	swait.ge [sflag:s22], s20  }
0x9f: {  	s4 =	ssub.s32 $0x0, s20;
	[sflag:s22] =	ssyncset.done $0x0  }
0xa0: {  	[sflag:s22] =	ssyncadd.s32 s4;
	_ =	sdelay $0x1  }
0xa1: {  	s23 =	simm.s32 $0x1B8B  }
0xa2: {  	_ =	swait.ge [sflag:s23], $0x1  }
0xa3: {  	[sflag:s23] =	ssyncset.done $0x0  }
0xa4: {  	s25 =	simm.s32 $0x1B8E;
	s24 =	sld [smem:$0x3FFE];
	[sflag:s23] =	ssyncadd.s32 $0xFFFFFFFF  }
0xa5: {  	s26 =	simm.s32 $execute0_lowered;
	[smem:$0x3FD2] =	sst s25  }
0xa6: {  	s5 =	sshll.u32 s26, $0x1;
	_ =	strace $0x80000049;
	[dreg:$0x1] =	wrdreg $0xFFFFFFFF  }
0xa7: {  	s28 =	simm.s32 $_size_execute0_lowered;
	s3 =	sadd.s32 s3, s5;
	[dreg:$0x0] =	wrdreg $0x0  }
0xa8: {  	s5 =	sshll.u32 s28, $0x1;
	[dreg:$0x2] =	wrdreg s3  }
0xa9: {  	[dreg:$0x3] =	wrdreg s5  }
0xaa: {  	[dreg:$0x4] =	wrdreg $0xC0  }
0xab: {  	_ =	task [dreg:s7], $0x5FFFF  }
0xac: {  	[dreg:$0x1] =	wrdreg $0xFFFFFFFF  }
0xad: {  	[dreg:$0x0] =	wrdreg $0x60  }
0xae: {  	[dreg:$0x2] =	wrdreg s24  }
0xaf: {  	[dreg:$0x3] =	wrdreg s2  }
0xb0: {  	[dreg:$0x4] =	wrdreg $0x9  }
0xb1: {  	_ =	task.clear_ibuf [dreg:s7], $0x5FFFF;
	_ =	strace $0x90000049  }
0xb2: {  	s29 =	simm.s32 $0x9;
	_ =	strace $0x8000004B  }
0xb3: {  	_ =	swait.ge [sflag:s29], $0x1  }
0xb4: {  	[sflag:s29] =	ssyncadd.s32 $0xFFFFFFFF  }
0xb5: {  	_ =	strace $0x9000004B  }
0xb6: {  	_ =	sfence  }
0xb7: {  	s30 =	sld [smem:$0x0];
	_ =	sdelay $0x2  }
0xb8: {  	s31 =	sshll.u32 s1, $0xD;
	s1 =	sshrl.u32 s1, $0x2  }
0xb9: {  	s3 =	sand.u32 $0x4000, s31;
	s1 =	sadd.s32 s1, s30  }
0xba: {  	s0 =	sor.u32 s3, s0;
	s1 =	sshll.u32 s1, $0x11  }
0xbb: {  	s0 =	sor.u32 s1, s0  }
0xbc: {  	s0 =	sadd.s32 $0x8F2B, s0  }
0xbd: {  	[sflag:s0] =	ssyncadd.remote.s32 $0x1  }
0xbe: {  	_ =	sfence.sel $0xFFFF  }
0xbf: {  	[dreg:$0x0] =	wrdreg $0xFFFFFFFF;
	(pc) =	sbr.abs _section_cstart, $3  }
0xc0: {  	[dreg:$0x1] =	wrdreg $0xFFFFFFFF  }
0xc1: {  	_ =	task.clear_ibuf [dreg:s7], $0x2FFFF;
	_ =	strace $0x9FFFFFFF  }
0xc2: {  	(tm) =	ssettm $0x7FFFFFFF  }
0xc3: {  	_ =	shalt  }
tec
execute0_lowered:
.L_overlay_start_1:
0x0: {  	(tag) =	ssettag $0x1  }
0x1: {  	s1 =	srdreg.scid;
	s2 =	rddreg [dreg:$0x0]  }
0x2: {  	s0 =	stileid.u32;
	s4 =	rddreg [dreg:$0x1];
	s6 =	sand.u32 $0x1, s1  }
0x3: {  	s3 =	simm.s32 $0x0;
	s5 =	sshll.u32 s0, $0x7;
	s7 =	sshll.u32 s6, $0x6  }
0x4: {  	[smem:$0x7FF] =	sst s3;
	s9 =	sor.u32 s7, s5  }
0x5: {  	s1 =	rddreg [dreg:$0x2];
	_ =	strace $0x8000004A;
	s5 =	sshrl.u32 s9, $0x3  }
0x6: {  	s10 =	ssub.s32 $0x2, s6;
	s5 =	sadd.s32 s4, s5;
	s4 =	simm.s32 $0x2  }
0x7: {  	[tilespmem:s3], [sflag:$0x2] =	stream.linear.gather [hbm4b:s5+s3], $0x40, $0x38;
	[tilespmem:$0x2080] =	vst v63  }
0x8: {  	s8 =	simm.s32 $0x1;
	s11 =	sshrl.u32 s10, $0x1;
	_ =	swait.ge [sflag:s4], $0x40  }
0x9: {  	s6 =	simm.s32 $0x40;
	s10 =	ssub.s32 s10, s11;
	[sflag:s4] =	ssyncset.done $0x0  }
0xa: {  	s7 =	simm.s32 $0x80;
	s10 =	smax.u32 s10, $0x1;
	[sflag:s4] =	ssyncadd.s32 $0xFFFFFFC0  }
0xb: {  	[tilespmem:s7], [sflag:$0x1] =	stream.indirect.gather [hbm4b:s2+s6], $0x80, s3, s6, $0xb8;
	[tilespmem:$0x2080] =	vst v63  }
0xc: {  	s9 =	sshll.u32 s9, $0x4;
	p0 =	sne.s32 s10, $0x1;
	_ =	swait.ge [sflag:s8], $0x2000  }
.Ltmp0:
0xd: {  	s9 =	sadd.s32 s9, s2;
	[sflag:s8] =	ssyncset.done $0x0;
	(pc) =	sbr.rel @!p0 .LBB2_2-.Ltmp0, $4  }
0xe: {  	s9 =	sadd.s32 $0x8000, s9;
	[sflag:s8] =	ssyncadd.s32 $0xFFFFE000  }
0xf: {  	[hbm4b:s9+s3] =	stream.linear.scatter [tilespmem:s7], [sflag:$0x2], $0x2000, $0x38;
	[tilespmem:$0x2080] =	vst v63  }
0x10: {  	_ =	swait.ge [sflag:s4], $0x2000  }
0x11: {  	s10 =	sadd.s32 $0xFFFFFFFF, s10;
	[sflag:s4] =	ssyncset.done $0x0  }
.LBB2_1:
0x12: {  	p0 =	sne.s32 s10, $0x1;
	s10 =	sadd.s32 $0xFFFFFFFF, s10;
	[sflag:s4] =	ssyncadd.s32 $0xFFFFE000  }
0x13: {  	[tilespmem:s3], [sflag:$0x2] =	stream.linear.gather [hbm4b:s5+s3], $0x40, $0x38;
	[tilespmem:$0x2080] =	vst v63  }
0x14: {  	_ =	swait.ge [sflag:s4], $0x40  }
0x15: {  	[sflag:s4] =	ssyncset.done $0x0  }
0x16: {  	[sflag:s4] =	ssyncadd.s32 $0xFFFFFFC0  }
0x17: {  	[tilespmem:s7], [sflag:$0x1] =	stream.indirect.gather [hbm4b:s2+s6], $0x80, s3, s6, $0xb8;
	[tilespmem:$0x2080] =	vst v63  }
0x18: {  	_ =	swait.ge [sflag:s8], $0x2000  }
.Ltmp1:
0x19: {  	[sflag:s8] =	ssyncset.done $0x0;
	(pc) =	sbr.rel @p0 .LBB2_1-.Ltmp1, $4  }
0x1a: {  	[sflag:s8] =	ssyncadd.s32 $0xFFFFE000  }
0x1b: {  	[hbm4b:s9+s3] =	stream.linear.scatter [tilespmem:s7], [sflag:$0x2], $0x2000, $0x38;
	[tilespmem:$0x2080] =	vst v63  }
0x1c: {  	_ =	swait.ge [sflag:s4], $0x2000  }
0x1d: {  	[sflag:s4] =	ssyncset.done $0x0  }
.LBB2_2:
0x1e: {  	[sflag:s4] =	ssyncadd.s32 $0xFFFFE000  }
0x1f: {  	_ =	sfence.sel $0x180000  }
0x20: {  	[bflag:$0x0] =	sbarrier.arrive $0xFFFF  }
0x21: {  	p0 =	sne.s32 s0, $0x0;
	_ =	strace $0x9000004A  }
0x22: {  	s0 =	sadd.s32 @!p0 $0x100000, s1;
	[bflag:$0x2] =	sbarrier.arrive $0xFFFF  }
0x23: {  	[sflag:s0] =	ssyncadd.tile.s32 @!p0 $0x1;
	_ =	shalt  }
.Lfunc_end2:
_tile_overlayer_lowered:
.L_overlay_start_2:
0x24: {  	(tag) =	ssettag $0x2  }
0x25: {  	s0 =	rddreg [dreg:$0x0];
	s2 =	stileid.u32  }
0x26: {  	s1 =	rddreg [dreg:$0x1];
	p0 =	sne.s32 s2, $0x0  }
0x27: {  	s3 =	rddreg [dreg:$0x2];
	[bflag:$0x3] =	sbarrier.arrive $0xFFFF;
	s2 =	simm.s32 @!p0 $0x1C02  }
0x28: {  	[timem:s3], [sflag:s2] =	dma.local @!p0 [hbm:s0], s1  }
0x29: {  	s0 =	simm.s32 @!p0 $0x2  }
0x2a: {  	_ =	swait.ge @!p0 [sflag:s0], s1  }
0x2b: {  	s1 =	ssub.s32 @!p0 $0x0, s1;
	[sflag:s0] =	ssyncset.done @!p0 $0x0  }
0x2c: {  	[sflag:s0] =	ssyncadd.s32 @!p0 s1  }
0x2d: {  	[bflag:$0x3] =	sbarrier.arrive $0xFFFF  }
0x2e: {  	_ =	shalt  }

</sc_bundles>
